<compile_context>
chip_gen: v7x
topology: tpu7x:2x2x1
jax: 0.10.2.dev20260603
libtpu: 0.0.44.dev20260713+nightly
codegen_flags: <defaults>
</compile_context>

<pallas_src>
import functools
import jax
import jax.numpy as jnp
from jax import lax
from jax.experimental import pallas as pl
from jax.experimental.pallas import tpu as pltpu
from jax.experimental.pallas import tpu_sc as plsc

N = 10000
E = 320000
D = 128
C = 128
NCHUNK = E // C
NW = 32
CHUNKS_PER_W = NCHUNK // NW
CHUNKS_REM = NCHUNK - CHUNKS_PER_W * NW
SLAB = 640
SLAB_TAIL = N - 15 * SLAB
N4 = 4 * N
N4P = 40960
DEG_PER_TILE = N4P // 16

_mesh = plsc.VectorSubcoreMesh(core_axis_name="c", subcore_axis_name="s")
_sc_params = pltpu.CompilerParams(needs_layout_passes=False)


KSUP = 20
NSUPTOT = NCHUNK // KSUP
SUP_PER_W = NSUPTOT // NW
SUP_REM = NSUPTOT - SUP_PER_W * NW


@functools.partial(
    pl.kernel,
    out_type=jax.ShapeDtypeStruct((2, N4P), jnp.float32),
    mesh=_mesh,
    scratch_types=[
        pltpu.VMEM_SHARED((N4P,), jnp.float32),
        pltpu.VMEM((KSUP, C), jnp.int32),
        pltpu.VMEM((C,), jnp.float32),
        pltpu.VMEM((DEG_PER_TILE,), jnp.float32),
        pltpu.SemaphoreType.DMA,
    ],
    compiler_params=_sc_params,
)
def _deg_kernel(gidx_hbm, degp_hbm, dacc, gi_v, ones_v, zbuf, sem):
    cid = lax.axis_index("c")
    sid = lax.axis_index("s")
    wid = sid * 2 + cid
    ones16 = jnp.ones((16,), jnp.float32)
    zeros16 = jnp.zeros((16,), jnp.float32)

    def fill(i, carry):
        zbuf[pl.ds(i * 16, 16)] = zeros16
        return carry

    lax.fori_loop(0, DEG_PER_TILE // 16, fill, 0)
    for j in range(C // 16):
        ones_v[pl.ds(j * 16, 16)] = ones16
    pltpu.sync_copy(zbuf, dacc.at[pl.ds(sid * DEG_PER_TILE, DEG_PER_TILE)])
    plsc.subcore_barrier()

    def super_chunk(sidx, carry):
        pltpu.sync_copy(gidx_hbm.at[sidx], gi_v)
        for k in range(KSUP):
            pltpu.async_copy(ones_v, dacc.at[gi_v.at[k]], sem, add=True)
        pltpu.make_async_copy(degp_hbm.at[0, pl.ds(0, KSUP * C)],
                              zbuf.at[pl.ds(0, KSUP * C)], sem).wait()
        return carry

    def sloop(s, carry):
        return super_chunk(wid * SUP_PER_W + s, carry)

    lax.fori_loop(0, SUP_PER_W, sloop, 0)

    @pl.when(wid < SUP_REM)
    def _():
        super_chunk(NW * SUP_PER_W + wid, 0)

    plsc.subcore_barrier()
    pltpu.sync_copy(dacc.at[pl.ds(sid * DEG_PER_TILE, DEG_PER_TILE)],
                    degp_hbm.at[cid, pl.ds(sid * DEG_PER_TILE, DEG_PER_TILE)])


def _k2_body(x_ref, w_ref, b_ref, root_ref, bond_ref, degp_ref,
             msg_ref, dis_ref, s_ref):
    x = x_ref[...]
    h = lax.dot_general(x, w_ref[...], (((1,), (1,)), ((), ())),
                        preferred_element_type=jnp.float32) + b_ref[...]
    deg = jnp.sum(degp_ref[...], axis=1) + 1.0
    dis = lax.rsqrt(deg)
    msg_ref[...] = (jnp.maximum(h[None, :, :] + bond_ref[...][:, None, :],
                                0.0) * dis[None, :, None])
    dis_ref[...] = dis[:, None]
    s_ref[...] = jnp.maximum(h + root_ref[...], 0.0) / deg[:, None]


_R2 = 2000

_k2 = pl.pallas_call(
    _k2_body,
    grid=(N // _R2,),
    in_specs=[
        pl.BlockSpec((_R2, D), lambda i: (i, 0)),
        pl.BlockSpec((D, D), lambda i: (0, 0)),
        pl.BlockSpec((1, D), lambda i: (0, 0)),
        pl.BlockSpec((1, D), lambda i: (0, 0)),
        pl.BlockSpec((4, D), lambda i: (0, 0)),
        pl.BlockSpec((_R2, 8), lambda i: (i, 0)),
    ],
    out_specs=[
        pl.BlockSpec((4, _R2, D), lambda i: (0, i, 0)),
        pl.BlockSpec((_R2, 1), lambda i: (i, 0)),
        pl.BlockSpec((_R2, D), lambda i: (i, 0)),
    ],
    out_shape=[
        jax.ShapeDtypeStruct((4, N, D), jnp.float32),
        jax.ShapeDtypeStruct((N, 1), jnp.float32),
        jax.ShapeDtypeStruct((N, D), jnp.float32),
    ],
)


@functools.partial(
    pl.kernel,
    out_type=jax.ShapeDtypeStruct((2, N, D), jnp.float32),
    mesh=_mesh,
    scratch_types=[
        pltpu.VMEM_SHARED((N, D), jnp.float32),
        pltpu.VMEM((2, C), jnp.int32),
        pltpu.VMEM((2, C), jnp.int32),
        pltpu.VMEM((2, C), jnp.int32),
        pltpu.VMEM((C, D), jnp.float32),
        pltpu.VMEM((C, D), jnp.float32),
        pltpu.VMEM((C, D), jnp.float32),
        pltpu.SemaphoreType.DMA,
        pltpu.SemaphoreType.DMA,
        pltpu.SemaphoreType.DMA,
        pltpu.SemaphoreType.DMA,
        pltpu.SemaphoreType.DMA,
        pltpu.SemaphoreType.DMA,
    ],
    compiler_params=_sc_params,
)
def _msg_kernel(edata_hbm, msg_hbm, out_hbm,
                acc, e0, e1, e2, r0, r1, r2, g0, g1, g2, s0, s1, s2):
    cid = lax.axis_index("c")
    sid = lax.axis_index("s")
    wid = sid * 2 + cid
    base_row = pl.multiple_of(sid * SLAB, 8)

    zeros16 = jnp.zeros((16,), jnp.float32)

    def zbody(i, carry):
        for j in range(D // 16):
            r0[i, pl.ds(j * 16, 16)] = zeros16
        return carry

    lax.fori_loop(0, C, zbody, 0)

    @pl.when(sid < 15)
    def _():
        for k in range(SLAB // C):
            pltpu.sync_copy(r0, acc.at[pl.ds(base_row + k * C, C)])

    @pl.when(sid == 15)
    def _():
        for k in range(SLAB_TAIL // C):
            pltpu.sync_copy(r0, acc.at[pl.ds(15 * SLAB + k * C, C)])
        rem = SLAB_TAIL - (SLAB_TAIL // C) * C
        if rem:
            pltpu.sync_copy(
                r0.at[pl.ds(0, rem)],
                acc.at[pl.ds(15 * SLAB + (SLAB_TAIL // C) * C, rem)])

    plsc.subcore_barrier()

    def fetch(t, e_b, r_b, gsem):
        g = wid + NW * t
        pltpu.sync_copy(edata_hbm.at[g], e_b)
        pltpu.async_copy(msg_hbm.at[e_b.at[0]], r_b, gsem)

    def wait_bytes(r_b, sem_b):
        pltpu.make_async_copy(msg_hbm.at[pl.ds(0, C)], r_b, sem_b).wait()

    NTRI = CHUNKS_PER_W // 3

    fetch(0, e0, r0, g0)
    fetch(1, e1, r1, g1)
    fetch(2, e2, r2, g2)

    def tri(q, carry):
        wait_bytes(r0, g0)
        pltpu.async_copy(r0, acc.at[e0.at[1]], s0, add=True)
        wait_bytes(r1, g1)
        pltpu.async_copy(r1, acc.at[e1.at[1]], s1, add=True)
        wait_bytes(r2, g2)
        pltpu.async_copy(r2, acc.at[e2.at[1]], s2, add=True)

        @pl.when(q < NTRI - 1)
        def _():
            wait_bytes(r0, s0)
            fetch(3 * q + 3, e0, r0, g0)
            wait_bytes(r1, s1)
            fetch(3 * q + 4, e1, r1, g1)
            wait_bytes(r2, s2)
            fetch(3 * q + 5, e2, r2, g2)

        return carry

    lax.fori_loop(0, NTRI, tri, 0)
    wait_bytes(r0, s0)
    wait_bytes(r1, s1)
    wait_bytes(r2, s2)

    @pl.when(wid < CHUNKS_REM)
    def _():
        fetch(CHUNKS_PER_W, e0, r0, g0)
        wait_bytes(r0, g0)
        pltpu.sync_copy(r0, acc.at[e0.at[1]], add=True)

    plsc.subcore_barrier()

    @pl.when(sid < 15)
    def _():
        pltpu.sync_copy(acc.at[pl.ds(base_row, SLAB)],
                        out_hbm.at[cid, pl.ds(base_row, SLAB)])

    @pl.when(sid == 15)
    def _():
        pltpu.sync_copy(acc.at[pl.ds(15 * SLAB, SLAB_TAIL)],
                        out_hbm.at[cid, pl.ds(15 * SLAB, SLAB_TAIL)])


def _k4_body(p_ref, dis_ref, s_ref, o_ref):
    o_ref[...] = (p_ref[0] + p_ref[1]) * dis_ref[...] + s_ref[...]


_k4 = pl.pallas_call(
    _k4_body,
    grid=(N // _R2,),
    in_specs=[
        pl.BlockSpec((2, _R2, D), lambda i: (0, i, 0)),
        pl.BlockSpec((_R2, 1), lambda i: (i, 0)),
        pl.BlockSpec((_R2, D), lambda i: (i, 0)),
    ],
    out_specs=pl.BlockSpec((_R2, D), lambda i: (i, 0)),
    out_shape=jax.ShapeDtypeStruct((N, D), jnp.float32),
)


def kernel(x, edge_index, edge_attr, W, b, root_emb, bond_table):
    row = edge_index[0]
    col = edge_index[1]
    gidx = edge_attr.astype(jnp.int32) * N + row
    edata = jnp.stack([gidx, col], axis=0).reshape(
        2, NCHUNK, C).transpose(1, 0, 2)

    degp = _deg_kernel(gidx.reshape(NSUPTOT, KSUP, C))
    degp8 = degp[:, :N4].reshape(8, N).T
    msgtab, dis2, selfterm = _k2(x, W, b.reshape(1, D), root_emb,
                                 bond_table, degp8)
    partials = _msg_kernel(edata, msgtab.reshape(N4, D))
    return _k4(partials, dis2, selfterm)

# --- scband reference (transcript-rebuilt; emitter-appended) ---
"""Pipeline reference for scband-gnn-node-85624468013522 (READ-ONLY COPY).

The authoritative reference and input builder live on the scoring server;
editing this copy changes nothing except your own understanding.
"""

import jax, jax.numpy as jnp
import numpy as np

N_NODES = 10000
N_EDGES = 320000
D = 128
N_BOND_TYPES = 4


def setup_inputs(seed: int = 0) -> dict:
    key = jax.random.key(seed)
    k1, k2, k3, k4, k5, k6 = jax.random.split(key, 6)
    x = jax.random.normal(k1, (N_NODES, D), dtype=jnp.float32)
    edge_index = jax.random.randint(k2, (2, N_EDGES), 0, N_NODES, dtype=jnp.int64 if jax.config.jax_enable_x64 else jnp.int32).astype(jnp.int32)
    edge_attr = jax.random.randint(k3, (N_EDGES,), 0, N_BOND_TYPES).astype(jnp.int32)
    # learned parameters sized per init_kwargs (in_dim=128, emb_dim=128)
    W = jax.random.normal(k4, (D, D), dtype=jnp.float32) * 0.05  # linear weight [emb_dim, in_dim]
    b = jnp.zeros((D,), dtype=jnp.float32)                        # linear bias
    root_emb = jax.random.normal(k5, (1, D), dtype=jnp.float32) * 0.02  # Embedding(1, emb_dim)
    bond_table = jax.random.normal(k6, (N_BOND_TYPES, D), dtype=jnp.float32) * 0.02  # bond encoder embedding
    return {"x": x, "edge_index": edge_index, "edge_attr": edge_attr,
            "W": W, "b": b, "root_emb": root_emb, "bond_table": bond_table}


def reference(x, edge_index, edge_attr, W, b, root_emb, bond_table):
    # GCNConv.forward from the module (OGB-style GCN with bond encoder)
    N = x.shape[0]
    h = x @ W.T + b                       # self.linear(x)
    edge_embedding = jnp.take(bond_table, edge_attr, axis=0)  # bond_encoder(edge_attr)
    row = edge_index[0]
    col = edge_index[1]
    # deg = degree(row, N) + 1
    deg = jnp.zeros((N,), dtype=x.dtype).at[row].add(1.0) + 1.0
    deg_inv_sqrt = deg ** -0.5
    deg_inv_sqrt = jnp.where(jnp.isinf(deg_inv_sqrt), 0.0, deg_inv_sqrt)
    norm = deg_inv_sqrt[row] * deg_inv_sqrt[col]
    # message: norm * relu(x_j + edge_attr), x_j gathered from source nodes (row)
    msg = norm[:, None] * jax.nn.relu(jnp.take(h, row, axis=0) + edge_embedding)
    # aggregate (add) at target nodes (col)
    aggr = jax.ops.segment_sum(msg, col, num_segments=N)
    out = aggr + jax.nn.relu(h + root_emb) * 1.0 / deg[:, None]
    return out

if __name__ == "__main__":
    import jax
    _d = setup_inputs()
    print(jax.jit(kernel)(*tuple(_d.values())))

</pallas_src>

<mosaic_0001>
#map = affine_map<(d0, d1) -> (0, 0, 0)>
#map1 = affine_map<(d0, d1) -> (0, 0)>
module attributes {stable_mosaic.version = 14 : i64} {
  func.func @_deg_kernel(%arg0: i32, %arg1: i32, %arg2: memref<125x20x128xi32, #tpu.memory_space<hbm>>, %arg3: memref<2x40960xf32, #tpu.memory_space<hbm>>, %arg4: memref<40960xf32, #tpu.memory_space<vmem_shared>>, %arg5: memref<20x128xi32, #tpu.memory_space<vmem>>, %arg6: memref<128xf32, #tpu.memory_space<vmem>>, %arg7: memref<2560xf32, #tpu.memory_space<vmem>>, %arg8: memref<!tpu.dma_semaphore, #tpu.memory_space<semaphore_mem>>) attributes {dimension_semantics = [#tpu.dimension_semantics<core_parallel>, #tpu.dimension_semantics<subcore_parallel>], iteration_bounds = array<i64: 2, 16>, scalar_prefetch = 0 : i64, scratch_operands = 5 : i64, tpu.core_type = #tpu.core_type<sc_vector_subcore>, window_params = [{transform_indices = #map}, {transform_indices = #map1}]} {
    %mul3A = arith.constant 2 : i32
    %mul3A_0 = arith.muli %arg1, %mul3A : i32
    %add3A = arith.addi %mul3A_0, %arg0 : i32
    %broadcast_in_dim3A = arith.constant 1.000000e+00 : f32
    %broadcast_in_dim3A_1 = vector.broadcast %broadcast_in_dim3A : f32 to vector<16xf32>
    %broadcast_in_dim3A_2 = arith.constant 0.000000e+00 : f32
    %broadcast_in_dim3A_3 = vector.broadcast %broadcast_in_dim3A_2 : f32 to vector<16xf32>
    %scan3A = arith.constant 0 : i32
    %scan3A_4 = arith.constant 0 : i32
    %scan3A_5 = arith.constant 160 : i32
    %scan3A_6 = arith.addi %scan3A_4, %scan3A_5 : i32
    %scan3A_7 = arith.constant 1 : i32
    scf.for %scan3A_39 = %scan3A_4 to %scan3A_6 step %scan3A_7  : i32 {
      %mul3A_40 = arith.constant 16 : i32
      %mul3A_41 = arith.muli %scan3A_39, %mul3A_40 : i32
      %swap3A_42 = arith.index_cast %mul3A_41 : i32 to index
      %swap3A_43 = tpu.vector_load %arg7[%swap3A_42] {strides = array<i32>} : memref<2560xf32, #tpu.memory_space<vmem>>, vector<16xf32>,
      tpu.vector_store %arg7[%swap3A_42], %broadcast_in_dim3A_3 {strides = array<i32>} : memref<2560xf32, #tpu.memory_space<vmem>>, vector<16xf32>,
    }
    %scan3A_8 = arith.constant 160 : i32
    %swap3A = arith.constant 0 : index
    %swap3A_9 = tpu.vector_load %arg6[%swap3A] {strides = array<i32>} : memref<128xf32, #tpu.memory_space<vmem>>, vector<16xf32>,
    tpu.vector_store %arg6[%swap3A], %broadcast_in_dim3A_1 {strides = array<i32>} : memref<128xf32, #tpu.memory_space<vmem>>, vector<16xf32>,
    %swap3A_10 = arith.constant 16 : index
    %swap3A_11 = tpu.vector_load %arg6[%swap3A_10] {strides = array<i32>} : memref<128xf32, #tpu.memory_space<vmem>>, vector<16xf32>,
    tpu.vector_store %arg6[%swap3A_10], %broadcast_in_dim3A_1 {strides = array<i32>} : memref<128xf32, #tpu.memory_space<vmem>>, vector<16xf32>,
    %swap3A_12 = arith.constant 32 : index
    %swap3A_13 = tpu.vector_load %arg6[%swap3A_12] {strides = array<i32>} : memref<128xf32, #tpu.memory_space<vmem>>, vector<16xf32>,
    tpu.vector_store %arg6[%swap3A_12], %broadcast_in_dim3A_1 {strides = array<i32>} : memref<128xf32, #tpu.memory_space<vmem>>, vector<16xf32>,
    %swap3A_14 = arith.constant 48 : index
    %swap3A_15 = tpu.vector_load %arg6[%swap3A_14] {strides = array<i32>} : memref<128xf32, #tpu.memory_space<vmem>>, vector<16xf32>,
    tpu.vector_store %arg6[%swap3A_14], %broadcast_in_dim3A_1 {strides = array<i32>} : memref<128xf32, #tpu.memory_space<vmem>>, vector<16xf32>,
    %swap3A_16 = arith.constant 64 : index
    %swap3A_17 = tpu.vector_load %arg6[%swap3A_16] {strides = array<i32>} : memref<128xf32, #tpu.memory_space<vmem>>, vector<16xf32>,
    tpu.vector_store %arg6[%swap3A_16], %broadcast_in_dim3A_1 {strides = array<i32>} : memref<128xf32, #tpu.memory_space<vmem>>, vector<16xf32>,
    %swap3A_18 = arith.constant 80 : index
    %swap3A_19 = tpu.vector_load %arg6[%swap3A_18] {strides = array<i32>} : memref<128xf32, #tpu.memory_space<vmem>>, vector<16xf32>,
    tpu.vector_store %arg6[%swap3A_18], %broadcast_in_dim3A_1 {strides = array<i32>} : memref<128xf32, #tpu.memory_space<vmem>>, vector<16xf32>,
    %swap3A_20 = arith.constant 96 : index
    %swap3A_21 = tpu.vector_load %arg6[%swap3A_20] {strides = array<i32>} : memref<128xf32, #tpu.memory_space<vmem>>, vector<16xf32>,
    tpu.vector_store %arg6[%swap3A_20], %broadcast_in_dim3A_1 {strides = array<i32>} : memref<128xf32, #tpu.memory_space<vmem>>, vector<16xf32>,
    %swap3A_22 = arith.constant 112 : index
    %swap3A_23 = tpu.vector_load %arg6[%swap3A_22] {strides = array<i32>} : memref<128xf32, #tpu.memory_space<vmem>>, vector<16xf32>,
    tpu.vector_store %arg6[%swap3A_22], %broadcast_in_dim3A_1 {strides = array<i32>} : memref<128xf32, #tpu.memory_space<vmem>>, vector<16xf32>,
    %mul3A_24 = arith.constant 2560 : i32
    %mul3A_25 = arith.muli %arg1, %mul3A_24 : i32
    "tpu.region"() ({
      %run_scoped3A = tpu.sem_alloc : memref<!tpu.dma_semaphore, #tpu.memory_space<semaphore_mem>>
      %dma_start3A = tpu.memref_slice %arg4[%mul3A_25] : memref<40960xf32, #tpu.memory_space<vmem_shared>> -> memref<2560xf32, #tpu.memory_space<vmem_shared>>
      %dma_start3A_39 = tpu.memref_slice %arg4[%mul3A_25] : memref<40960xf32, #tpu.memory_space<vmem_shared>> -> memref<2560xf32, #tpu.memory_space<vmem_shared>>
      tpu.enqueue_dma source(%arg7 : memref<2560xf32, #tpu.memory_space<vmem>>) target(%dma_start3A_39 : memref<2560xf32, #tpu.memory_space<vmem_shared>>) target_semaphore(%run_scoped3A : memref<!tpu.dma_semaphore, #tpu.memory_space<semaphore_mem>>)
      %dma_wait3A = tpu.memref_slice %arg4[%mul3A_25] : memref<40960xf32, #tpu.memory_space<vmem_shared>> -> memref<2560xf32, #tpu.memory_space<vmem_shared>>
      %dma_wait3A_40 = tpu.memref_slice %arg4[%mul3A_25] : memref<40960xf32, #tpu.memory_space<vmem_shared>> -> memref<2560xf32, #tpu.memory_space<vmem_shared>>
      tpu.wait_dma2 semaphore(%run_scoped3A : memref<!tpu.dma_semaphore, #tpu.memory_space<semaphore_mem>>) src(%arg7 : memref<2560xf32, #tpu.memory_space<vmem>>) dst(%dma_wait3A_40 : memref<2560xf32, #tpu.memory_space<vmem_shared>>)
      tpu.yield
    }) : () -> ()
    %barrier3A = arith.constant 0 : index
    tpu.barrier barrier_id(%barrier3A)
    %scan3A_26 = arith.constant 0 : i32
    %scan3A_27 = arith.constant 0 : i32
    %scan3A_28 = arith.constant 3 : i32
    %scan3A_29 = arith.addi %scan3A_27, %scan3A_28 : i32
    %scan3A_30 = arith.constant 1 : i32
    scf.for %scan3A_39 = %scan3A_27 to %scan3A_29 step %scan3A_30  : i32 {
      %mul3A_40 = arith.constant 3 : i32
      %mul3A_41 = arith.muli %add3A, %mul3A_40 : i32
      %add3A_42 = arith.addi %mul3A_41, %scan3A_39 : i32
      "tpu.region"() ({
        %run_scoped3A = tpu.sem_alloc : memref<!tpu.dma_semaphore, #tpu.memory_space<semaphore_mem>>
        %dma_start3A_172 = arith.constant 0 : i32
        %dma_start3A_173 = arith.constant 0 : i32
        %dma_start3A_174 = tpu.memref_slice %arg2[%add3A_42, %dma_start3A_172, %dma_start3A_173] : memref<125x20x128xi32, #tpu.memory_space<hbm>> -> memref<1x20x128xi32, #tpu.memory_space<hbm>>
        %dma_start3A_175 = tpu.memref_squeeze %dma_start3A_174 : memref<1x20x128xi32, #tpu.memory_space<hbm>> -> memref<20x128xi32, #tpu.memory_space<hbm>>
        %dma_start3A_176 = arith.constant 0 : i32
        %dma_start3A_177 = arith.constant 0 : i32
        %dma_start3A_178 = tpu.memref_slice %arg2[%add3A_42, %dma_start3A_176, %dma_start3A_177] : memref<125x20x128xi32, #tpu.memory_space<hbm>> -> memref<1x20x128xi32, #tpu.memory_space<hbm>>
        %dma_start3A_179 = tpu.memref_squeeze %dma_start3A_178 : memref<1x20x128xi32, #tpu.memory_space<hbm>> -> memref<20x128xi32, #tpu.memory_space<hbm>>
        tpu.enqueue_dma source(%dma_start3A_179 : memref<20x128xi32, #tpu.memory_space<hbm>>) target(%arg5 : memref<20x128xi32, #tpu.memory_space<vmem>>) target_semaphore(%run_scoped3A : memref<!tpu.dma_semaphore, #tpu.memory_space<semaphore_mem>>)
        %dma_wait3A_180 = arith.constant 0 : i32
        %dma_wait3A_181 = arith.constant 0 : i32
        %dma_wait3A_182 = tpu.memref_slice %arg2[%add3A_42, %dma_wait3A_180, %dma_wait3A_181] : memref<125x20x128xi32, #tpu.memory_space<hbm>> -> memref<1x20x128xi32, #tpu.memory_space<hbm>>
        %dma_wait3A_183 = tpu.memref_squeeze %dma_wait3A_182 : memref<1x20x128xi32, #tpu.memory_space<hbm>> -> memref<20x128xi32, #tpu.memory_space<hbm>>
        %dma_wait3A_184 = arith.constant 0 : i32
        %dma_wait3A_185 = arith.constant 0 : i32
        %dma_wait3A_186 = tpu.memref_slice %arg2[%add3A_42, %dma_wait3A_184, %dma_wait3A_185] : memref<125x20x128xi32, #tpu.memory_space<hbm>> -> memref<1x20x128xi32, #tpu.memory_space<hbm>>
        %dma_wait3A_187 = tpu.memref_squeeze %dma_wait3A_186 : memref<1x20x128xi32, #tpu.memory_space<hbm>> -> memref<20x128xi32, #tpu.memory_space<hbm>>
        tpu.wait_dma2 semaphore(%run_scoped3A : memref<!tpu.dma_semaphore, #tpu.memory_space<semaphore_mem>>) src(%dma_wait3A_187 : memref<20x128xi32, #tpu.memory_space<hbm>>) dst(%arg5 : memref<20x128xi32, #tpu.memory_space<vmem>>)
        tpu.yield
      }) : () -> ()
      %dma_start3A = arith.constant 0 : i32
      %dma_start3A_43 = arith.constant 0 : i32
      %dma_start3A_44 = tpu.memref_slice %arg5[%dma_start3A, %dma_start3A_43] : memref<20x128xi32, #tpu.memory_space<vmem>> -> memref<1x128xi32, #tpu.memory_space<vmem>>
      %dma_start3A_45 = tpu.memref_squeeze %dma_start3A_44 : memref<1x128xi32, #tpu.memory_space<vmem>> -> memref<128xi32, #tpu.memory_space<vmem>>
      %dma_start3A_46 = arith.constant 0 : i32
      %dma_start3A_47 = tpu.memref_slice %arg4[%dma_start3A_46] : memref<40960xf32, #tpu.memory_space<vmem_shared>> -> memref<40960xf32, #tpu.memory_space<vmem_shared>>
      tpu.enqueue_indirect_dma source(%arg6 : memref<128xf32, #tpu.memory_space<vmem>>) target(%dma_start3A_47 : memref<40960xf32, #tpu.memory_space<vmem_shared>>) offsets(%dma_start3A_45 : memref<128xi32, #tpu.memory_space<vmem>>) semaphore(%arg8 : memref<!tpu.dma_semaphore, #tpu.memory_space<semaphore_mem>>) {add = true}
      %dma_start3A_48 = arith.constant 1 : i32
      %dma_start3A_49 = arith.constant 0 : i32
      %dma_start3A_50 = tpu.memref_slice %arg5[%dma_start3A_48, %dma_start3A_49] : memref<20x128xi32, #tpu.memory_space<vmem>> -> memref<1x128xi32, #tpu.memory_space<vmem>>
      %dma_start3A_51 = tpu.memref_squeeze %dma_start3A_50 : memref<1x128xi32, #tpu.memory_space<vmem>> -> memref<128xi32, #tpu.memory_space<vmem>>
      %dma_start3A_52 = arith.constant 0 : i32
      %dma_start3A_53 = tpu.memref_slice %arg4[%dma_start3A_52] : memref<40960xf32, #tpu.memory_space<vmem_shared>> -> memref<40960xf32, #tpu.memory_space<vmem_shared>>
      tpu.enqueue_indirect_dma source(%arg6 : memref<128xf32, #tpu.memory_space<vmem>>) target(%dma_start3A_53 : memref<40960xf32, #tpu.memory_space<vmem_shared>>) offsets(%dma_start3A_51 : memref<128xi32, #tpu.memory_space<vmem>>) semaphore(%arg8 : memref<!tpu.dma_semaphore, #tpu.memory_space<semaphore_mem>>) {add = true}
      %dma_start3A_54 = arith.constant 2 : i32
      %dma_start3A_55 = arith.constant 0 : i32
      %dma_start3A_56 = tpu.memref_slice %arg5[%dma_start3A_54, %dma_start3A_55] : memref<20x128xi32, #tpu.memory_space<vmem>> -> memref<1x128xi32, #tpu.memory_space<vmem>>
      %dma_start3A_57 = tpu.memref_squeeze %dma_start3A_56 : memref<1x128xi32, #tpu.memory_space<vmem>> -> memref<128xi32, #tpu.memory_space<vmem>>
      %dma_start3A_58 = arith.constant 0 : i32
      %dma_start3A_59 = tpu.memref_slice %arg4[%dma_start3A_58] : memref<40960xf32, #tpu.memory_space<vmem_shared>> -> memref<40960xf32, #tpu.memory_space<vmem_shared>>
      tpu.enqueue_indirect_dma source(%arg6 : memref<128xf32, #tpu.memory_space<vmem>>) target(%dma_start3A_59 : memref<40960xf32, #tpu.memory_space<vmem_shared>>) offsets(%dma_start3A_57 : memref<128xi32, #tpu.memory_space<vmem>>) semaphore(%arg8 : memref<!tpu.dma_semaphore, #tpu.memory_space<semaphore_mem>>) {add = true}
      %dma_start3A_60 = arith.constant 3 : i32
      %dma_start3A_61 = arith.constant 0 : i32
      %dma_start3A_62 = tpu.memref_slice %arg5[%dma_start3A_60, %dma_start3A_61] : memref<20x128xi32, #tpu.memory_space<vmem>> -> memref<1x128xi32, #tpu.memory_space<vmem>>
      %dma_start3A_63 = tpu.memref_squeeze %dma_start3A_62 : memref<1x128xi32, #tpu.memory_space<vmem>> -> memref<128xi32, #tpu.memory_space<vmem>>
      %dma_start3A_64 = arith.constant 0 : i32
      %dma_start3A_65 = tpu.memref_slice %arg4[%dma_start3A_64] : memref<40960xf32, #tpu.memory_space<vmem_shared>> -> memref<40960xf32, #tpu.memory_space<vmem_shared>>
      tpu.enqueue_indirect_dma source(%arg6 : memref<128xf32, #tpu.memory_space<vmem>>) target(%dma_start3A_65 : memref<40960xf32, #tpu.memory_space<vmem_shared>>) offsets(%dma_start3A_63 : memref<128xi32, #tpu.memory_space<vmem>>) semaphore(%arg8 : memref<!tpu.dma_semaphore, #tpu.memory_space<semaphore_mem>>) {add = true}
      %dma_start3A_66 = arith.constant 4 : i32
      %dma_start3A_67 = arith.constant 0 : i32
      %dma_start3A_68 = tpu.memref_slice %arg5[%dma_start3A_66, %dma_start3A_67] : memref<20x128xi32, #tpu.memory_space<vmem>> -> memref<1x128xi32, #tpu.memory_space<vmem>>
      %dma_start3A_69 = tpu.memref_squeeze %dma_start3A_68 : memref<1x128xi32, #tpu.memory_space<vmem>> -> memref<128xi32, #tpu.memory_space<vmem>>
      %dma_start3A_70 = arith.constant 0 : i32
      %dma_start3A_71 = tpu.memref_slice %arg4[%dma_start3A_70] : memref<40960xf32, #tpu.memory_space<vmem_shared>> -> memref<40960xf32, #tpu.memory_space<vmem_shared>>
      tpu.enqueue_indirect_dma source(%arg6 : memref<128xf32, #tpu.memory_space<vmem>>) target(%dma_start3A_71 : memref<40960xf32, #tpu.memory_space<vmem_shared>>) offsets(%dma_start3A_69 : memref<128xi32, #tpu.memory_space<vmem>>) semaphore(%arg8 : memref<!tpu.dma_semaphore, #tpu.memory_space<semaphore_mem>>) {add = true}
      %dma_start3A_72 = arith.constant 5 : i32
      %dma_start3A_73 = arith.constant 0 : i32
      %dma_start3A_74 = tpu.memref_slice %arg5[%dma_start3A_72, %dma_start3A_73] : memref<20x128xi32, #tpu.memory_space<vmem>> -> memref<1x128xi32, #tpu.memory_space<vmem>>
      %dma_start3A_75 = tpu.memref_squeeze %dma_start3A_74 : memref<1x128xi32, #tpu.memory_space<vmem>> -> memref<128xi32, #tpu.memory_space<vmem>>
      %dma_start3A_76 = arith.constant 0 : i32
      %dma_start3A_77 = tpu.memref_slice %arg4[%dma_start3A_76] : memref<40960xf32, #tpu.memory_space<vmem_shared>> -> memref<40960xf32, #tpu.memory_space<vmem_shared>>
      tpu.enqueue_indirect_dma source(%arg6 : memref<128xf32, #tpu.memory_space<vmem>>) target(%dma_start3A_77 : memref<40960xf32, #tpu.memory_space<vmem_shared>>) offsets(%dma_start3A_75 : memref<128xi32, #tpu.memory_space<vmem>>) semaphore(%arg8 : memref<!tpu.dma_semaphore, #tpu.memory_space<semaphore_mem>>) {add = true}
      %dma_start3A_78 = arith.constant 6 : i32
      %dma_start3A_79 = arith.constant 0 : i32
      %dma_start3A_80 = tpu.memref_slice %arg5[%dma_start3A_78, %dma_start3A_79] : memref<20x128xi32, #tpu.memory_space<vmem>> -> memref<1x128xi32, #tpu.memory_space<vmem>>
      %dma_start3A_81 = tpu.memref_squeeze %dma_start3A_80 : memref<1x128xi32, #tpu.memory_space<vmem>> -> memref<128xi32, #tpu.memory_space<vmem>>
      %dma_start3A_82 = arith.constant 0 : i32
      %dma_start3A_83 = tpu.memref_slice %arg4[%dma_start3A_82] : memref<40960xf32, #tpu.memory_space<vmem_shared>> -> memref<40960xf32, #tpu.memory_space<vmem_shared>>
      tpu.enqueue_indirect_dma source(%arg6 : memref<128xf32, #tpu.memory_space<vmem>>) target(%dma_start3A_83 : memref<40960xf32, #tpu.memory_space<vmem_shared>>) offsets(%dma_start3A_81 : memref<128xi32, #tpu.memory_space<vmem>>) semaphore(%arg8 : memref<!tpu.dma_semaphore, #tpu.memory_space<semaphore_mem>>) {add = true}
      %dma_start3A_84 = arith.constant 7 : i32
      %dma_start3A_85 = arith.constant 0 : i32
      %dma_start3A_86 = tpu.memref_slice %arg5[%dma_start3A_84, %dma_start3A_85] : memref<20x128xi32, #tpu.memory_space<vmem>> -> memref<1x128xi32, #tpu.memory_space<vmem>>
      %dma_start3A_87 = tpu.memref_squeeze %dma_start3A_86 : memref<1x128xi32, #tpu.memory_space<vmem>> -> memref<128xi32, #tpu.memory_space<vmem>>
      %dma_start3A_88 = arith.constant 0 : i32
      %dma_start3A_89 = tpu.memref_slice %arg4[%dma_start3A_88] : memref<40960xf32, #tpu.memory_space<vmem_shared>> -> memref<40960xf32, #tpu.memory_space<vmem_shared>>
      tpu.enqueue_indirect_dma source(%arg6 : memref<128xf32, #tpu.memory_space<vmem>>) target(%dma_start3A_89 : memref<40960xf32, #tpu.memory_space<vmem_shared>>) offsets(%dma_start3A_87 : memref<128xi32, #tpu.memory_space<vmem>>) semaphore(%arg8 : memref<!tpu.dma_semaphore, #tpu.memory_space<semaphore_mem>>) {add = true}
      %dma_start3A_90 = arith.constant 8 : i32
      %dma_start3A_91 = arith.constant 0 : i32
      %dma_start3A_92 = tpu.memref_slice %arg5[%dma_start3A_90, %dma_start3A_91] : memref<20x128xi32, #tpu.memory_space<vmem>> -> memref<1x128xi32, #tpu.memory_space<vmem>>
      %dma_start3A_93 = tpu.memref_squeeze %dma_start3A_92 : memref<1x128xi32, #tpu.memory_space<vmem>> -> memref<128xi32, #tpu.memory_space<vmem>>
      %dma_start3A_94 = arith.constant 0 : i32
      %dma_start3A_95 = tpu.memref_slice %arg4[%dma_start3A_94] : memref<40960xf32, #tpu.memory_space<vmem_shared>> -> memref<40960xf32, #tpu.memory_space<vmem_shared>>
      tpu.enqueue_indirect_dma source(%arg6 : memref<128xf32, #tpu.memory_space<vmem>>) target(%dma_start3A_95 : memref<40960xf32, #tpu.memory_space<vmem_shared>>) offsets(%dma_start3A_93 : memref<128xi32, #tpu.memory_space<vmem>>) semaphore(%arg8 : memref<!tpu.dma_semaphore, #tpu.memory_space<semaphore_mem>>) {add = true}
      %dma_start3A_96 = arith.constant 9 : i32
      %dma_start3A_97 = arith.constant 0 : i32
      %dma_start3A_98 = tpu.memref_slice %arg5[%dma_start3A_96, %dma_start3A_97] : memref<20x128xi32, #tpu.memory_space<vmem>> -> memref<1x128xi32, #tpu.memory_space<vmem>>
      %dma_start3A_99 = tpu.memref_squeeze %dma_start3A_98 : memref<1x128xi32, #tpu.memory_space<vmem>> -> memref<128xi32, #tpu.memory_space<vmem>>
      %dma_start3A_100 = arith.constant 0 : i32
      %dma_start3A_101 = tpu.memref_slice %arg4[%dma_start3A_100] : memref<40960xf32, #tpu.memory_space<vmem_shared>> -> memref<40960xf32, #tpu.memory_space<vmem_shared>>
      tpu.enqueue_indirect_dma source(%arg6 : memref<128xf32, #tpu.memory_space<vmem>>) target(%dma_start3A_101 : memref<40960xf32, #tpu.memory_space<vmem_shared>>) offsets(%dma_start3A_99 : memref<128xi32, #tpu.memory_space<vmem>>) semaphore(%arg8 : memref<!tpu.dma_semaphore, #tpu.memory_space<semaphore_mem>>) {add = true}
      %dma_start3A_102 = arith.constant 10 : i32
      %dma_start3A_103 = arith.constant 0 : i32
      %dma_start3A_104 = tpu.memref_slice %arg5[%dma_start3A_102, %dma_start3A_103] : memref<20x128xi32, #tpu.memory_space<vmem>> -> memref<1x128xi32, #tpu.memory_space<vmem>>
      %dma_start3A_105 = tpu.memref_squeeze %dma_start3A_104 : memref<1x128xi32, #tpu.memory_space<vmem>> -> memref<128xi32, #tpu.memory_space<vmem>>
      %dma_start3A_106 = arith.constant 0 : i32
      %dma_start3A_107 = tpu.memref_slice %arg4[%dma_start3A_106] : memref<40960xf32, #tpu.memory_space<vmem_shared>> -> memref<40960xf32, #tpu.memory_space<vmem_shared>>
      tpu.enqueue_indirect_dma source(%arg6 : memref<128xf32, #tpu.memory_space<vmem>>) target(%dma_start3A_107 : memref<40960xf32, #tpu.memory_space<vmem_shared>>) offsets(%dma_start3A_105 : memref<128xi32, #tpu.memory_space<vmem>>) semaphore(%arg8 : memref<!tpu.dma_semaphore, #tpu.memory_space<semaphore_mem>>) {add = true}
      %dma_start3A_108 = arith.constant 11 : i32
      %dma_start3A_109 = arith.constant 0 : i32
      %dma_start3A_110 = tpu.memref_slice %arg5[%dma_start3A_108, %dma_start3A_109] : memref<20x128xi32, #tpu.memory_space<vmem>> -> memref<1x128xi32, #tpu.memory_space<vmem>>
      %dma_start3A_111 = tpu.memref_squeeze %dma_start3A_110 : memref<1x128xi32, #tpu.memory_space<vmem>> -> memref<128xi32, #tpu.memory_space<vmem>>
      %dma_start3A_112 = arith.constant 0 : i32
      %dma_start3A_113 = tpu.memref_slice %arg4[%dma_start3A_112] : memref<40960xf32, #tpu.memory_space<vmem_shared>> -> memref<40960xf32, #tpu.memory_space<vmem_shared>>
      tpu.enqueue_indirect_dma source(%arg6 : memref<128xf32, #tpu.memory_space<vmem>>) target(%dma_start3A_113 : memref<40960xf32, #tpu.memory_space<vmem_shared>>) offsets(%dma_start3A_111 : memref<128xi32, #tpu.memory_space<vmem>>) semaphore(%arg8 : memref<!tpu.dma_semaphore, #tpu.memory_space<semaphore_mem>>) {add = true}
      %dma_start3A_114 = arith.constant 12 : i32
      %dma_start3A_115 = arith.constant 0 : i32
      %dma_start3A_116 = tpu.memref_slice %arg5[%dma_start3A_114, %dma_start3A_115] : memref<20x128xi32, #tpu.memory_space<vmem>> -> memref<1x128xi32, #tpu.memory_space<vmem>>
      %dma_start3A_117 = tpu.memref_squeeze %dma_start3A_116 : memref<1x128xi32, #tpu.memory_space<vmem>> -> memref<128xi32, #tpu.memory_space<vmem>>
      %dma_start3A_118 = arith.constant 0 : i32
      %dma_start3A_119 = tpu.memref_slice %arg4[%dma_start3A_118] : memref<40960xf32, #tpu.memory_space<vmem_shared>> -> memref<40960xf32, #tpu.memory_space<vmem_shared>>
      tpu.enqueue_indirect_dma source(%arg6 : memref<128xf32, #tpu.memory_space<vmem>>) target(%dma_start3A_119 : memref<40960xf32, #tpu.memory_space<vmem_shared>>) offsets(%dma_start3A_117 : memref<128xi32, #tpu.memory_space<vmem>>) semaphore(%arg8 : memref<!tpu.dma_semaphore, #tpu.memory_space<semaphore_mem>>) {add = true}
      %dma_start3A_120 = arith.constant 13 : i32
      %dma_start3A_121 = arith.constant 0 : i32
      %dma_start3A_122 = tpu.memref_slice %arg5[%dma_start3A_120, %dma_start3A_121] : memref<20x128xi32, #tpu.memory_space<vmem>> -> memref<1x128xi32, #tpu.memory_space<vmem>>
      %dma_start3A_123 = tpu.memref_squeeze %dma_start3A_122 : memref<1x128xi32, #tpu.memory_space<vmem>> -> memref<128xi32, #tpu.memory_space<vmem>>
      %dma_start3A_124 = arith.constant 0 : i32
      %dma_start3A_125 = tpu.memref_slice %arg4[%dma_start3A_124] : memref<40960xf32, #tpu.memory_space<vmem_shared>> -> memref<40960xf32, #tpu.memory_space<vmem_shared>>
      tpu.enqueue_indirect_dma source(%arg6 : memref<128xf32, #tpu.memory_space<vmem>>) target(%dma_start3A_125 : memref<40960xf32, #tpu.memory_space<vmem_shared>>) offsets(%dma_start3A_123 : memref<128xi32, #tpu.memory_space<vmem>>) semaphore(%arg8 : memref<!tpu.dma_semaphore, #tpu.memory_space<semaphore_mem>>) {add = true}
      %dma_start3A_126 = arith.constant 14 : i32
      %dma_start3A_127 = arith.constant 0 : i32
      %dma_start3A_128 = tpu.memref_slice %arg5[%dma_start3A_126, %dma_start3A_127] : memref<20x128xi32, #tpu.memory_space<vmem>> -> memref<1x128xi32, #tpu.memory_space<vmem>>
      %dma_start3A_129 = tpu.memref_squeeze %dma_start3A_128 : memref<1x128xi32, #tpu.memory_space<vmem>> -> memref<128xi32, #tpu.memory_space<vmem>>
      %dma_start3A_130 = arith.constant 0 : i32
      %dma_start3A_131 = tpu.memref_slice %arg4[%dma_start3A_130] : memref<40960xf32, #tpu.memory_space<vmem_shared>> -> memref<40960xf32, #tpu.memory_space<vmem_shared>>
      tpu.enqueue_indirect_dma source(%arg6 : memref<128xf32, #tpu.memory_space<vmem>>) target(%dma_start3A_131 : memref<40960xf32, #tpu.memory_space<vmem_shared>>) offsets(%dma_start3A_129 : memref<128xi32, #tpu.memory_space<vmem>>) semaphore(%arg8 : memref<!tpu.dma_semaphore, #tpu.memory_space<semaphore_mem>>) {add = true}
      %dma_start3A_132 = arith.constant 15 : i32
      %dma_start3A_133 = arith.constant 0 : i32
      %dma_start3A_134 = tpu.memref_slice %arg5[%dma_start3A_132, %dma_start3A_133] : memref<20x128xi32, #tpu.memory_space<vmem>> -> memref<1x128xi32, #tpu.memory_space<vmem>>
      %dma_start3A_135 = tpu.memref_squeeze %dma_start3A_134 : memref<1x128xi32, #tpu.memory_space<vmem>> -> memref<128xi32, #tpu.memory_space<vmem>>
      %dma_start3A_136 = arith.constant 0 : i32
      %dma_start3A_137 = tpu.memref_slice %arg4[%dma_start3A_136] : memref<40960xf32, #tpu.memory_space<vmem_shared>> -> memref<40960xf32, #tpu.memory_space<vmem_shared>>
      tpu.enqueue_indirect_dma source(%arg6 : memref<128xf32, #tpu.memory_space<vmem>>) target(%dma_start3A_137 : memref<40960xf32, #tpu.memory_space<vmem_shared>>) offsets(%dma_start3A_135 : memref<128xi32, #tpu.memory_space<vmem>>) semaphore(%arg8 : memref<!tpu.dma_semaphore, #tpu.memory_space<semaphore_mem>>) {add = true}
      %dma_start3A_138 = arith.constant 16 : i32
      %dma_start3A_139 = arith.constant 0 : i32
      %dma_start3A_140 = tpu.memref_slice %arg5[%dma_start3A_138, %dma_start3A_139] : memref<20x128xi32, #tpu.memory_space<vmem>> -> memref<1x128xi32, #tpu.memory_space<vmem>>
      %dma_start3A_141 = tpu.memref_squeeze %dma_start3A_140 : memref<1x128xi32, #tpu.memory_space<vmem>> -> memref<128xi32, #tpu.memory_space<vmem>>
      %dma_start3A_142 = arith.constant 0 : i32
      %dma_start3A_143 = tpu.memref_slice %arg4[%dma_start3A_142] : memref<40960xf32, #tpu.memory_space<vmem_shared>> -> memref<40960xf32, #tpu.memory_space<vmem_shared>>
      tpu.enqueue_indirect_dma source(%arg6 : memref<128xf32, #tpu.memory_space<vmem>>) target(%dma_start3A_143 : memref<40960xf32, #tpu.memory_space<vmem_shared>>) offsets(%dma_start3A_141 : memref<128xi32, #tpu.memory_space<vmem>>) semaphore(%arg8 : memref<!tpu.dma_semaphore, #tpu.memory_space<semaphore_mem>>) {add = true}
      %dma_start3A_144 = arith.constant 17 : i32
      %dma_start3A_145 = arith.constant 0 : i32
      %dma_start3A_146 = tpu.memref_slice %arg5[%dma_start3A_144, %dma_start3A_145] : memref<20x128xi32, #tpu.memory_space<vmem>> -> memref<1x128xi32, #tpu.memory_space<vmem>>
      %dma_start3A_147 = tpu.memref_squeeze %dma_start3A_146 : memref<1x128xi32, #tpu.memory_space<vmem>> -> memref<128xi32, #tpu.memory_space<vmem>>
      %dma_start3A_148 = arith.constant 0 : i32
      %dma_start3A_149 = tpu.memref_slice %arg4[%dma_start3A_148] : memref<40960xf32, #tpu.memory_space<vmem_shared>> -> memref<40960xf32, #tpu.memory_space<vmem_shared>>
      tpu.enqueue_indirect_dma source(%arg6 : memref<128xf32, #tpu.memory_space<vmem>>) target(%dma_start3A_149 : memref<40960xf32, #tpu.memory_space<vmem_shared>>) offsets(%dma_start3A_147 : memref<128xi32, #tpu.memory_space<vmem>>) semaphore(%arg8 : memref<!tpu.dma_semaphore, #tpu.memory_space<semaphore_mem>>) {add = true}
      %dma_start3A_150 = arith.constant 18 : i32
      %dma_start3A_151 = arith.constant 0 : i32
      %dma_start3A_152 = tpu.memref_slice %arg5[%dma_start3A_150, %dma_start3A_151] : memref<20x128xi32, #tpu.memory_space<vmem>> -> memref<1x128xi32, #tpu.memory_space<vmem>>
      %dma_start3A_153 = tpu.memref_squeeze %dma_start3A_152 : memref<1x128xi32, #tpu.memory_space<vmem>> -> memref<128xi32, #tpu.memory_space<vmem>>
      %dma_start3A_154 = arith.constant 0 : i32
      %dma_start3A_155 = tpu.memref_slice %arg4[%dma_start3A_154] : memref<40960xf32, #tpu.memory_space<vmem_shared>> -> memref<40960xf32, #tpu.memory_space<vmem_shared>>
      tpu.enqueue_indirect_dma source(%arg6 : memref<128xf32, #tpu.memory_space<vmem>>) target(%dma_start3A_155 : memref<40960xf32, #tpu.memory_space<vmem_shared>>) offsets(%dma_start3A_153 : memref<128xi32, #tpu.memory_space<vmem>>) semaphore(%arg8 : memref<!tpu.dma_semaphore, #tpu.memory_space<semaphore_mem>>) {add = true}
      %dma_start3A_156 = arith.constant 19 : i32
      %dma_start3A_157 = arith.constant 0 : i32
      %dma_start3A_158 = tpu.memref_slice %arg5[%dma_start3A_156, %dma_start3A_157] : memref<20x128xi32, #tpu.memory_space<vmem>> -> memref<1x128xi32, #tpu.memory_space<vmem>>
      %dma_start3A_159 = tpu.memref_squeeze %dma_start3A_158 : memref<1x128xi32, #tpu.memory_space<vmem>> -> memref<128xi32, #tpu.memory_space<vmem>>
      %dma_start3A_160 = arith.constant 0 : i32
      %dma_start3A_161 = tpu.memref_slice %arg4[%dma_start3A_160] : memref<40960xf32, #tpu.memory_space<vmem_shared>> -> memref<40960xf32, #tpu.memory_space<vmem_shared>>
      tpu.enqueue_indirect_dma source(%arg6 : memref<128xf32, #tpu.memory_space<vmem>>) target(%dma_start3A_161 : memref<40960xf32, #tpu.memory_space<vmem_shared>>) offsets(%dma_start3A_159 : memref<128xi32, #tpu.memory_space<vmem>>) semaphore(%arg8 : memref<!tpu.dma_semaphore, #tpu.memory_space<semaphore_mem>>) {add = true}
      %dma_wait3A = arith.constant 0 : i32
      %dma_wait3A_162 = arith.constant 0 : i32
      %dma_wait3A_163 = tpu.memref_slice %arg7[%dma_wait3A_162] : memref<2560xf32, #tpu.memory_space<vmem>> -> memref<2560xf32, #tpu.memory_space<vmem>>
      %dma_wait3A_164 = arith.constant 0 : i32
      %dma_wait3A_165 = tpu.memref_slice %arg3[%dma_wait3A, %dma_wait3A_164] : memref<2x40960xf32, #tpu.memory_space<hbm>> -> memref<1x2560xf32, #tpu.memory_space<hbm>>
      %dma_wait3A_166 = tpu.memref_squeeze %dma_wait3A_165 : memref<1x2560xf32, #tpu.memory_space<hbm>> -> memref<2560xf32, #tpu.memory_space<hbm>>
      %dma_wait3A_167 = arith.constant 0 : i32
      %dma_wait3A_168 = tpu.memref_slice %arg7[%dma_wait3A_167] : memref<2560xf32, #tpu.memory_space<vmem>> -> memref<2560xf32, #tpu.memory_space<vmem>>
      %dma_wait3A_169 = arith.constant 0 : i32
      %dma_wait3A_170 = tpu.memref_slice %arg3[%dma_wait3A, %dma_wait3A_169] : memref<2x40960xf32, #tpu.memory_space<hbm>> -> memref<1x2560xf32, #tpu.memory_space<hbm>>
      %dma_wait3A_171 = tpu.memref_squeeze %dma_wait3A_170 : memref<1x2560xf32, #tpu.memory_space<hbm>> -> memref<2560xf32, #tpu.memory_space<hbm>>
      tpu.wait_dma2 semaphore(%arg8 : memref<!tpu.dma_semaphore, #tpu.memory_space<semaphore_mem>>) src(%dma_wait3A_171 : memref<2560xf32, #tpu.memory_space<hbm>>) dst(%dma_wait3A_168 : memref<2560xf32, #tpu.memory_space<vmem>>)
    }
    %scan3A_31 = arith.constant 3 : i32
    %lt3A = arith.constant 29 : i32
    %lt3A_32 = arith.cmpi slt, %add3A, %lt3A : i32
    %convert_element_type3A = arith.extui %lt3A_32 : i1 to i32
    %cond3A = arith.constant 0 : i32
    %cond3A_33 = arith.cmpi ne, %convert_element_type3A, %cond3A : i32
    scf.if %cond3A_33 {
      %add3A_39 = arith.constant 96 : i32
      %add3A_40 = arith.addi %add3A_39, %add3A : i32
      "tpu.region"() ({
        %run_scoped3A = tpu.sem_alloc : memref<!tpu.dma_semaphore, #tpu.memory_space<semaphore_mem>>
        %dma_start3A_170 = arith.constant 0 : i32
        %dma_start3A_171 = arith.constant 0 : i32
        %dma_start3A_172 = tpu.memref_slice %arg2[%add3A_40, %dma_start3A_170, %dma_start3A_171] : memref<125x20x128xi32, #tpu.memory_space<hbm>> -> memref<1x20x128xi32, #tpu.memory_space<hbm>>
        %dma_start3A_173 = tpu.memref_squeeze %dma_start3A_172 : memref<1x20x128xi32, #tpu.memory_space<hbm>> -> memref<20x128xi32, #tpu.memory_space<hbm>>
        %dma_start3A_174 = arith.constant 0 : i32
        %dma_start3A_175 = arith.constant 0 : i32
        %dma_start3A_176 = tpu.memref_slice %arg2[%add3A_40, %dma_start3A_174, %dma_start3A_175] : memref<125x20x128xi32, #tpu.memory_space<hbm>> -> memref<1x20x128xi32, #tpu.memory_space<hbm>>
        %dma_start3A_177 = tpu.memref_squeeze %dma_start3A_176 : memref<1x20x128xi32, #tpu.memory_space<hbm>> -> memref<20x128xi32, #tpu.memory_space<hbm>>
        tpu.enqueue_dma source(%dma_start3A_177 : memref<20x128xi32, #tpu.memory_space<hbm>>) target(%arg5 : memref<20x128xi32, #tpu.memory_space<vmem>>) target_semaphore(%run_scoped3A : memref<!tpu.dma_semaphore, #tpu.memory_space<semaphore_mem>>)
        %dma_wait3A_178 = arith.constant 0 : i32
        %dma_wait3A_179 = arith.constant 0 : i32
        %dma_wait3A_180 = tpu.memref_slice %arg2[%add3A_40, %dma_wait3A_178, %dma_wait3A_179] : memref<125x20x128xi32, #tpu.memory_space<hbm>> -> memref<1x20x128xi32, #tpu.memory_space<hbm>>
        %dma_wait3A_181 = tpu.memref_squeeze %dma_wait3A_180 : memref<1x20x128xi32, #tpu.memory_space<hbm>> -> memref<20x128xi32, #tpu.memory_space<hbm>>
        %dma_wait3A_182 = arith.constant 0 : i32
        %dma_wait3A_183 = arith.constant 0 : i32
        %dma_wait3A_184 = tpu.memref_slice %arg2[%add3A_40, %dma_wait3A_182, %dma_wait3A_183] : memref<125x20x128xi32, #tpu.memory_space<hbm>> -> memref<1x20x128xi32, #tpu.memory_space<hbm>>
        %dma_wait3A_185 = tpu.memref_squeeze %dma_wait3A_184 : memref<1x20x128xi32, #tpu.memory_space<hbm>> -> memref<20x128xi32, #tpu.memory_space<hbm>>
        tpu.wait_dma2 semaphore(%run_scoped3A : memref<!tpu.dma_semaphore, #tpu.memory_space<semaphore_mem>>) src(%dma_wait3A_185 : memref<20x128xi32, #tpu.memory_space<hbm>>) dst(%arg5 : memref<20x128xi32, #tpu.memory_space<vmem>>)
        tpu.yield
      }) : () -> ()
      %dma_start3A = arith.constant 0 : i32
      %dma_start3A_41 = arith.constant 0 : i32
      %dma_start3A_42 = tpu.memref_slice %arg5[%dma_start3A, %dma_start3A_41] : memref<20x128xi32, #tpu.memory_space<vmem>> -> memref<1x128xi32, #tpu.memory_space<vmem>>
      %dma_start3A_43 = tpu.memref_squeeze %dma_start3A_42 : memref<1x128xi32, #tpu.memory_space<vmem>> -> memref<128xi32, #tpu.memory_space<vmem>>
      %dma_start3A_44 = arith.constant 0 : i32
      %dma_start3A_45 = tpu.memref_slice %arg4[%dma_start3A_44] : memref<40960xf32, #tpu.memory_space<vmem_shared>> -> memref<40960xf32, #tpu.memory_space<vmem_shared>>
      tpu.enqueue_indirect_dma source(%arg6 : memref<128xf32, #tpu.memory_space<vmem>>) target(%dma_start3A_45 : memref<40960xf32, #tpu.memory_space<vmem_shared>>) offsets(%dma_start3A_43 : memref<128xi32, #tpu.memory_space<vmem>>) semaphore(%arg8 : memref<!tpu.dma_semaphore, #tpu.memory_space<semaphore_mem>>) {add = true}
      %dma_start3A_46 = arith.constant 1 : i32
      %dma_start3A_47 = arith.constant 0 : i32
      %dma_start3A_48 = tpu.memref_slice %arg5[%dma_start3A_46, %dma_start3A_47] : memref<20x128xi32, #tpu.memory_space<vmem>> -> memref<1x128xi32, #tpu.memory_space<vmem>>
      %dma_start3A_49 = tpu.memref_squeeze %dma_start3A_48 : memref<1x128xi32, #tpu.memory_space<vmem>> -> memref<128xi32, #tpu.memory_space<vmem>>
      %dma_start3A_50 = arith.constant 0 : i32
      %dma_start3A_51 = tpu.memref_slice %arg4[%dma_start3A_50] : memref<40960xf32, #tpu.memory_space<vmem_shared>> -> memref<40960xf32, #tpu.memory_space<vmem_shared>>
      tpu.enqueue_indirect_dma source(%arg6 : memref<128xf32, #tpu.memory_space<vmem>>) target(%dma_start3A_51 : memref<40960xf32, #tpu.memory_space<vmem_shared>>) offsets(%dma_start3A_49 : memref<128xi32, #tpu.memory_space<vmem>>) semaphore(%arg8 : memref<!tpu.dma_semaphore, #tpu.memory_space<semaphore_mem>>) {add = true}
      %dma_start3A_52 = arith.constant 2 : i32
      %dma_start3A_53 = arith.constant 0 : i32
      %dma_start3A_54 = tpu.memref_slice %arg5[%dma_start3A_52, %dma_start3A_53] : memref<20x128xi32, #tpu.memory_space<vmem>> -> memref<1x128xi32, #tpu.memory_space<vmem>>
      %dma_start3A_55 = tpu.memref_squeeze %dma_start3A_54 : memref<1x128xi32, #tpu.memory_space<vmem>> -> memref<128xi32, #tpu.memory_space<vmem>>
      %dma_start3A_56 = arith.constant 0 : i32
      %dma_start3A_57 = tpu.memref_slice %arg4[%dma_start3A_56] : memref<40960xf32, #tpu.memory_space<vmem_shared>> -> memref<40960xf32, #tpu.memory_space<vmem_shared>>
      tpu.enqueue_indirect_dma source(%arg6 : memref<128xf32, #tpu.memory_space<vmem>>) target(%dma_start3A_57 : memref<40960xf32, #tpu.memory_space<vmem_shared>>) offsets(%dma_start3A_55 : memref<128xi32, #tpu.memory_space<vmem>>) semaphore(%arg8 : memref<!tpu.dma_semaphore, #tpu.memory_space<semaphore_mem>>) {add = true}
      %dma_start3A_58 = arith.constant 3 : i32
      %dma_start3A_59 = arith.constant 0 : i32
      %dma_start3A_60 = tpu.memref_slice %arg5[%dma_start3A_58, %dma_start3A_59] : memref<20x128xi32, #tpu.memory_space<vmem>> -> memref<1x128xi32, #tpu.memory_space<vmem>>
      %dma_start3A_61 = tpu.memref_squeeze %dma_start3A_60 : memref<1x128xi32, #tpu.memory_space<vmem>> -> memref<128xi32, #tpu.memory_space<vmem>>
      %dma_start3A_62 = arith.constant 0 : i32
      %dma_start3A_63 = tpu.memref_slice %arg4[%dma_start3A_62] : memref<40960xf32, #tpu.memory_space<vmem_shared>> -> memref<40960xf32, #tpu.memory_space<vmem_shared>>
      tpu.enqueue_indirect_dma source(%arg6 : memref<128xf32, #tpu.memory_space<vmem>>) target(%dma_start3A_63 : memref<40960xf32, #tpu.memory_space<vmem_shared>>) offsets(%dma_start3A_61 : memref<128xi32, #tpu.memory_space<vmem>>) semaphore(%arg8 : memref<!tpu.dma_semaphore, #tpu.memory_space<semaphore_mem>>) {add = true}
      %dma_start3A_64 = arith.constant 4 : i32
      %dma_start3A_65 = arith.constant 0 : i32
      %dma_start3A_66 = tpu.memref_slice %arg5[%dma_start3A_64, %dma_start3A_65] : memref<20x128xi32, #tpu.memory_space<vmem>> -> memref<1x128xi32, #tpu.memory_space<vmem>>
      %dma_start3A_67 = tpu.memref_squeeze %dma_start3A_66 : memref<1x128xi32, #tpu.memory_space<vmem>> -> memref<128xi32, #tpu.memory_space<vmem>>
      %dma_start3A_68 = arith.constant 0 : i32
      %dma_start3A_69 = tpu.memref_slice %arg4[%dma_start3A_68] : memref<40960xf32, #tpu.memory_space<vmem_shared>> -> memref<40960xf32, #tpu.memory_space<vmem_shared>>
      tpu.enqueue_indirect_dma source(%arg6 : memref<128xf32, #tpu.memory_space<vmem>>) target(%dma_start3A_69 : memref<40960xf32, #tpu.memory_space<vmem_shared>>) offsets(%dma_start3A_67 : memref<128xi32, #tpu.memory_space<vmem>>) semaphore(%arg8 : memref<!tpu.dma_semaphore, #tpu.memory_space<semaphore_mem>>) {add = true}
      %dma_start3A_70 = arith.constant 5 : i32
      %dma_start3A_71 = arith.constant 0 : i32
      %dma_start3A_72 = tpu.memref_slice %arg5[%dma_start3A_70, %dma_start3A_71] : memref<20x128xi32, #tpu.memory_space<vmem>> -> memref<1x128xi32, #tpu.memory_space<vmem>>
      %dma_start3A_73 = tpu.memref_squeeze %dma_start3A_72 : memref<1x128xi32, #tpu.memory_space<vmem>> -> memref<128xi32, #tpu.memory_space<vmem>>
      %dma_start3A_74 = arith.constant 0 : i32
      %dma_start3A_75 = tpu.memref_slice %arg4[%dma_start3A_74] : memref<40960xf32, #tpu.memory_space<vmem_shared>> -> memref<40960xf32, #tpu.memory_space<vmem_shared>>
      tpu.enqueue_indirect_dma source(%arg6 : memref<128xf32, #tpu.memory_space<vmem>>) target(%dma_start3A_75 : memref<40960xf32, #tpu.memory_space<vmem_shared>>) offsets(%dma_start3A_73 : memref<128xi32, #tpu.memory_space<vmem>>) semaphore(%arg8 : memref<!tpu.dma_semaphore, #tpu.memory_space<semaphore_mem>>) {add = true}
      %dma_start3A_76 = arith.constant 6 : i32
      %dma_start3A_77 = arith.constant 0 : i32
      %dma_start3A_78 = tpu.memref_slice %arg5[%dma_start3A_76, %dma_start3A_77] : memref<20x128xi32, #tpu.memory_space<vmem>> -> memref<1x128xi32, #tpu.memory_space<vmem>>
      %dma_start3A_79 = tpu.memref_squeeze %dma_start3A_78 : memref<1x128xi32, #tpu.memory_space<vmem>> -> memref<128xi32, #tpu.memory_space<vmem>>
      %dma_start3A_80 = arith.constant 0 : i32
      %dma_start3A_81 = tpu.memref_slice %arg4[%dma_start3A_80] : memref<40960xf32, #tpu.memory_space<vmem_shared>> -> memref<40960xf32, #tpu.memory_space<vmem_shared>>
      tpu.enqueue_indirect_dma source(%arg6 : memref<128xf32, #tpu.memory_space<vmem>>) target(%dma_start3A_81 : memref<40960xf32, #tpu.memory_space<vmem_shared>>) offsets(%dma_start3A_79 : memref<128xi32, #tpu.memory_space<vmem>>) semaphore(%arg8 : memref<!tpu.dma_semaphore, #tpu.memory_space<semaphore_mem>>) {add = true}
      %dma_start3A_82 = arith.constant 7 : i32
      %dma_start3A_83 = arith.constant 0 : i32
      %dma_start3A_84 = tpu.memref_slice %arg5[%dma_start3A_82, %dma_start3A_83] : memref<20x128xi32, #tpu.memory_space<vmem>> -> memref<1x128xi32, #tpu.memory_space<vmem>>
      %dma_start3A_85 = tpu.memref_squeeze %dma_start3A_84 : memref<1x128xi32, #tpu.memory_space<vmem>> -> memref<128xi32, #tpu.memory_space<vmem>>
      %dma_start3A_86 = arith.constant 0 : i32
      %dma_start3A_87 = tpu.memref_slice %arg4[%dma_start3A_86] : memref<40960xf32, #tpu.memory_space<vmem_shared>> -> memref<40960xf32, #tpu.memory_space<vmem_shared>>
      tpu.enqueue_indirect_dma source(%arg6 : memref<128xf32, #tpu.memory_space<vmem>>) target(%dma_start3A_87 : memref<40960xf32, #tpu.memory_space<vmem_shared>>) offsets(%dma_start3A_85 : memref<128xi32, #tpu.memory_space<vmem>>) semaphore(%arg8 : memref<!tpu.dma_semaphore, #tpu.memory_space<semaphore_mem>>) {add = true}
      %dma_start3A_88 = arith.constant 8 : i32
      %dma_start3A_89 = arith.constant 0 : i32
      %dma_start3A_90 = tpu.memref_slice %arg5[%dma_start3A_88, %dma_start3A_89] : memref<20x128xi32, #tpu.memory_space<vmem>> -> memref<1x128xi32, #tpu.memory_space<vmem>>
      %dma_start3A_91 = tpu.memref_squeeze %dma_start3A_90 : memref<1x128xi32, #tpu.memory_space<vmem>> -> memref<128xi32, #tpu.memory_space<vmem>>
      %dma_start3A_92 = arith.constant 0 : i32
      %dma_start3A_93 = tpu.memref_slice %arg4[%dma_start3A_92] : memref<40960xf32, #tpu.memory_space<vmem_shared>> -> memref<40960xf32, #tpu.memory_space<vmem_shared>>
      tpu.enqueue_indirect_dma source(%arg6 : memref<128xf32, #tpu.memory_space<vmem>>) target(%dma_start3A_93 : memref<40960xf32, #tpu.memory_space<vmem_shared>>) offsets(%dma_start3A_91 : memref<128xi32, #tpu.memory_space<vmem>>) semaphore(%arg8 : memref<!tpu.dma_semaphore, #tpu.memory_space<semaphore_mem>>) {add = true}
      %dma_start3A_94 = arith.constant 9 : i32
      %dma_start3A_95 = arith.constant 0 : i32
      %dma_start3A_96 = tpu.memref_slice %arg5[%dma_start3A_94, %dma_start3A_95] : memref<20x128xi32, #tpu.memory_space<vmem>> -> memref<1x128xi32, #tpu.memory_space<vmem>>
      %dma_start3A_97 = tpu.memref_squeeze %dma_start3A_96 : memref<1x128xi32, #tpu.memory_space<vmem>> -> memref<128xi32, #tpu.memory_space<vmem>>
      %dma_start3A_98 = arith.constant 0 : i32
      %dma_start3A_99 = tpu.memref_slice %arg4[%dma_start3A_98] : memref<40960xf32, #tpu.memory_space<vmem_shared>> -> memref<40960xf32, #tpu.memory_space<vmem_shared>>
      tpu.enqueue_indirect_dma source(%arg6 : memref<128xf32, #tpu.memory_space<vmem>>) target(%dma_start3A_99 : memref<40960xf32, #tpu.memory_space<vmem_shared>>) offsets(%dma_start3A_97 : memref<128xi32, #tpu.memory_space<vmem>>) semaphore(%arg8 : memref<!tpu.dma_semaphore, #tpu.memory_space<semaphore_mem>>) {add = true}
      %dma_start3A_100 = arith.constant 10 : i32
      %dma_start3A_101 = arith.constant 0 : i32
      %dma_start3A_102 = tpu.memref_slice %arg5[%dma_start3A_100, %dma_start3A_101] : memref<20x128xi32, #tpu.memory_space<vmem>> -> memref<1x128xi32, #tpu.memory_space<vmem>>
      %dma_start3A_103 = tpu.memref_squeeze %dma_start3A_102 : memref<1x128xi32, #tpu.memory_space<vmem>> -> memref<128xi32, #tpu.memory_space<vmem>>
      %dma_start3A_104 = arith.constant 0 : i32
      %dma_start3A_105 = tpu.memref_slice %arg4[%dma_start3A_104] : memref<40960xf32, #tpu.memory_space<vmem_shared>> -> memref<40960xf32, #tpu.memory_space<vmem_shared>>
      tpu.enqueue_indirect_dma source(%arg6 : memref<128xf32, #tpu.memory_space<vmem>>) target(%dma_start3A_105 : memref<40960xf32, #tpu.memory_space<vmem_shared>>) offsets(%dma_start3A_103 : memref<128xi32, #tpu.memory_space<vmem>>) semaphore(%arg8 : memref<!tpu.dma_semaphore, #tpu.memory_space<semaphore_mem>>) {add = true}
      %dma_start3A_106 = arith.constant 11 : i32
      %dma_start3A_107 = arith.constant 0 : i32
      %dma_start3A_108 = tpu.memref_slice %arg5[%dma_start3A_106, %dma_start3A_107] : memref<20x128xi32, #tpu.memory_space<vmem>> -> memref<1x128xi32, #tpu.memory_space<vmem>>
      %dma_start3A_109 = tpu.memref_squeeze %dma_start3A_108 : memref<1x128xi32, #tpu.memory_space<vmem>> -> memref<128xi32, #tpu.memory_space<vmem>>
      %dma_start3A_110 = arith.constant 0 : i32
      %dma_start3A_111 = tpu.memref_slice %arg4[%dma_start3A_110] : memref<40960xf32, #tpu.memory_space<vmem_shared>> -> memref<40960xf32, #tpu.memory_space<vmem_shared>>
      tpu.enqueue_indirect_dma source(%arg6 : memref<128xf32, #tpu.memory_space<vmem>>) target(%dma_start3A_111 : memref<40960xf32, #tpu.memory_space<vmem_shared>>) offsets(%dma_start3A_109 : memref<128xi32, #tpu.memory_space<vmem>>) semaphore(%arg8 : memref<!tpu.dma_semaphore, #tpu.memory_space<semaphore_mem>>) {add = true}
      %dma_start3A_112 = arith.constant 12 : i32
      %dma_start3A_113 = arith.constant 0 : i32
      %dma_start3A_114 = tpu.memref_slice %arg5[%dma_start3A_112, %dma_start3A_113] : memref<20x128xi32, #tpu.memory_space<vmem>> -> memref<1x128xi32, #tpu.memory_space<vmem>>
      %dma_start3A_115 = tpu.memref_squeeze %dma_start3A_114 : memref<1x128xi32, #tpu.memory_space<vmem>> -> memref<128xi32, #tpu.memory_space<vmem>>
      %dma_start3A_116 = arith.constant 0 : i32
      %dma_start3A_117 = tpu.memref_slice %arg4[%dma_start3A_116] : memref<40960xf32, #tpu.memory_space<vmem_shared>> -> memref<40960xf32, #tpu.memory_space<vmem_shared>>
      tpu.enqueue_indirect_dma source(%arg6 : memref<128xf32, #tpu.memory_space<vmem>>) target(%dma_start3A_117 : memref<40960xf32, #tpu.memory_space<vmem_shared>>) offsets(%dma_start3A_115 : memref<128xi32, #tpu.memory_space<vmem>>) semaphore(%arg8 : memref<!tpu.dma_semaphore, #tpu.memory_space<semaphore_mem>>) {add = true}
      %dma_start3A_118 = arith.constant 13 : i32
      %dma_start3A_119 = arith.constant 0 : i32
      %dma_start3A_120 = tpu.memref_slice %arg5[%dma_start3A_118, %dma_start3A_119] : memref<20x128xi32, #tpu.memory_space<vmem>> -> memref<1x128xi32, #tpu.memory_space<vmem>>
      %dma_start3A_121 = tpu.memref_squeeze %dma_start3A_120 : memref<1x128xi32, #tpu.memory_space<vmem>> -> memref<128xi32, #tpu.memory_space<vmem>>
      %dma_start3A_122 = arith.constant 0 : i32
      %dma_start3A_123 = tpu.memref_slice %arg4[%dma_start3A_122] : memref<40960xf32, #tpu.memory_space<vmem_shared>> -> memref<40960xf32, #tpu.memory_space<vmem_shared>>
      tpu.enqueue_indirect_dma source(%arg6 : memref<128xf32, #tpu.memory_space<vmem>>) target(%dma_start3A_123 : memref<40960xf32, #tpu.memory_space<vmem_shared>>) offsets(%dma_start3A_121 : memref<128xi32, #tpu.memory_space<vmem>>) semaphore(%arg8 : memref<!tpu.dma_semaphore, #tpu.memory_space<semaphore_mem>>) {add = true}
      %dma_start3A_124 = arith.constant 14 : i32
      %dma_start3A_125 = arith.constant 0 : i32
      %dma_start3A_126 = tpu.memref_slice %arg5[%dma_start3A_124, %dma_start3A_125] : memref<20x128xi32, #tpu.memory_space<vmem>> -> memref<1x128xi32, #tpu.memory_space<vmem>>
      %dma_start3A_127 = tpu.memref_squeeze %dma_start3A_126 : memref<1x128xi32, #tpu.memory_space<vmem>> -> memref<128xi32, #tpu.memory_space<vmem>>
      %dma_start3A_128 = arith.constant 0 : i32
      %dma_start3A_129 = tpu.memref_slice %arg4[%dma_start3A_128] : memref<40960xf32, #tpu.memory_space<vmem_shared>> -> memref<40960xf32, #tpu.memory_space<vmem_shared>>
      tpu.enqueue_indirect_dma source(%arg6 : memref<128xf32, #tpu.memory_space<vmem>>) target(%dma_start3A_129 : memref<40960xf32, #tpu.memory_space<vmem_shared>>) offsets(%dma_start3A_127 : memref<128xi32, #tpu.memory_space<vmem>>) semaphore(%arg8 : memref<!tpu.dma_semaphore, #tpu.memory_space<semaphore_mem>>) {add = true}
      %dma_start3A_130 = arith.constant 15 : i32
      %dma_start3A_131 = arith.constant 0 : i32
      %dma_start3A_132 = tpu.memref_slice %arg5[%dma_start3A_130, %dma_start3A_131] : memref<20x128xi32, #tpu.memory_space<vmem>> -> memref<1x128xi32, #tpu.memory_space<vmem>>
      %dma_start3A_133 = tpu.memref_squeeze %dma_start3A_132 : memref<1x128xi32, #tpu.memory_space<vmem>> -> memref<128xi32, #tpu.memory_space<vmem>>
      %dma_start3A_134 = arith.constant 0 : i32
      %dma_start3A_135 = tpu.memref_slice %arg4[%dma_start3A_134] : memref<40960xf32, #tpu.memory_space<vmem_shared>> -> memref<40960xf32, #tpu.memory_space<vmem_shared>>
      tpu.enqueue_indirect_dma source(%arg6 : memref<128xf32, #tpu.memory_space<vmem>>) target(%dma_start3A_135 : memref<40960xf32, #tpu.memory_space<vmem_shared>>) offsets(%dma_start3A_133 : memref<128xi32, #tpu.memory_space<vmem>>) semaphore(%arg8 : memref<!tpu.dma_semaphore, #tpu.memory_space<semaphore_mem>>) {add = true}
      %dma_start3A_136 = arith.constant 16 : i32
      %dma_start3A_137 = arith.constant 0 : i32
      %dma_start3A_138 = tpu.memref_slice %arg5[%dma_start3A_136, %dma_start3A_137] : memref<20x128xi32, #tpu.memory_space<vmem>> -> memref<1x128xi32, #tpu.memory_space<vmem>>
      %dma_start3A_139 = tpu.memref_squeeze %dma_start3A_138 : memref<1x128xi32, #tpu.memory_space<vmem>> -> memref<128xi32, #tpu.memory_space<vmem>>
      %dma_start3A_140 = arith.constant 0 : i32
      %dma_start3A_141 = tpu.memref_slice %arg4[%dma_start3A_140] : memref<40960xf32, #tpu.memory_space<vmem_shared>> -> memref<40960xf32, #tpu.memory_space<vmem_shared>>
      tpu.enqueue_indirect_dma source(%arg6 : memref<128xf32, #tpu.memory_space<vmem>>) target(%dma_start3A_141 : memref<40960xf32, #tpu.memory_space<vmem_shared>>) offsets(%dma_start3A_139 : memref<128xi32, #tpu.memory_space<vmem>>) semaphore(%arg8 : memref<!tpu.dma_semaphore, #tpu.memory_space<semaphore_mem>>) {add = true}
      %dma_start3A_142 = arith.constant 17 : i32
      %dma_start3A_143 = arith.constant 0 : i32
      %dma_start3A_144 = tpu.memref_slice %arg5[%dma_start3A_142, %dma_start3A_143] : memref<20x128xi32, #tpu.memory_space<vmem>> -> memref<1x128xi32, #tpu.memory_space<vmem>>
      %dma_start3A_145 = tpu.memref_squeeze %dma_start3A_144 : memref<1x128xi32, #tpu.memory_space<vmem>> -> memref<128xi32, #tpu.memory_space<vmem>>
      %dma_start3A_146 = arith.constant 0 : i32
      %dma_start3A_147 = tpu.memref_slice %arg4[%dma_start3A_146] : memref<40960xf32, #tpu.memory_space<vmem_shared>> -> memref<40960xf32, #tpu.memory_space<vmem_shared>>
      tpu.enqueue_indirect_dma source(%arg6 : memref<128xf32, #tpu.memory_space<vmem>>) target(%dma_start3A_147 : memref<40960xf32, #tpu.memory_space<vmem_shared>>) offsets(%dma_start3A_145 : memref<128xi32, #tpu.memory_space<vmem>>) semaphore(%arg8 : memref<!tpu.dma_semaphore, #tpu.memory_space<semaphore_mem>>) {add = true}
      %dma_start3A_148 = arith.constant 18 : i32
      %dma_start3A_149 = arith.constant 0 : i32
      %dma_start3A_150 = tpu.memref_slice %arg5[%dma_start3A_148, %dma_start3A_149] : memref<20x128xi32, #tpu.memory_space<vmem>> -> memref<1x128xi32, #tpu.memory_space<vmem>>
      %dma_start3A_151 = tpu.memref_squeeze %dma_start3A_150 : memref<1x128xi32, #tpu.memory_space<vmem>> -> memref<128xi32, #tpu.memory_space<vmem>>
      %dma_start3A_152 = arith.constant 0 : i32
      %dma_start3A_153 = tpu.memref_slice %arg4[%dma_start3A_152] : memref<40960xf32, #tpu.memory_space<vmem_shared>> -> memref<40960xf32, #tpu.memory_space<vmem_shared>>
      tpu.enqueue_indirect_dma source(%arg6 : memref<128xf32, #tpu.memory_space<vmem>>) target(%dma_start3A_153 : memref<40960xf32, #tpu.memory_space<vmem_shared>>) offsets(%dma_start3A_151 : memref<128xi32, #tpu.memory_space<vmem>>) semaphore(%arg8 : memref<!tpu.dma_semaphore, #tpu.memory_space<semaphore_mem>>) {add = true}
      %dma_start3A_154 = arith.constant 19 : i32
      %dma_start3A_155 = arith.constant 0 : i32
      %dma_start3A_156 = tpu.memref_slice %arg5[%dma_start3A_154, %dma_start3A_155] : memref<20x128xi32, #tpu.memory_space<vmem>> -> memref<1x128xi32, #tpu.memory_space<vmem>>
      %dma_start3A_157 = tpu.memref_squeeze %dma_start3A_156 : memref<1x128xi32, #tpu.memory_space<vmem>> -> memref<128xi32, #tpu.memory_space<vmem>>
      %dma_start3A_158 = arith.constant 0 : i32
      %dma_start3A_159 = tpu.memref_slice %arg4[%dma_start3A_158] : memref<40960xf32, #tpu.memory_space<vmem_shared>> -> memref<40960xf32, #tpu.memory_space<vmem_shared>>
      tpu.enqueue_indirect_dma source(%arg6 : memref<128xf32, #tpu.memory_space<vmem>>) target(%dma_start3A_159 : memref<40960xf32, #tpu.memory_space<vmem_shared>>) offsets(%dma_start3A_157 : memref<128xi32, #tpu.memory_space<vmem>>) semaphore(%arg8 : memref<!tpu.dma_semaphore, #tpu.memory_space<semaphore_mem>>) {add = true}
      %dma_wait3A = arith.constant 0 : i32
      %dma_wait3A_160 = arith.constant 0 : i32
      %dma_wait3A_161 = tpu.memref_slice %arg7[%dma_wait3A_160] : memref<2560xf32, #tpu.memory_space<vmem>> -> memref<2560xf32, #tpu.memory_space<vmem>>
      %dma_wait3A_162 = arith.constant 0 : i32
      %dma_wait3A_163 = tpu.memref_slice %arg3[%dma_wait3A, %dma_wait3A_162] : memref<2x40960xf32, #tpu.memory_space<hbm>> -> memref<1x2560xf32, #tpu.memory_space<hbm>>
      %dma_wait3A_164 = tpu.memref_squeeze %dma_wait3A_163 : memref<1x2560xf32, #tpu.memory_space<hbm>> -> memref<2560xf32, #tpu.memory_space<hbm>>
      %dma_wait3A_165 = arith.constant 0 : i32
      %dma_wait3A_166 = tpu.memref_slice %arg7[%dma_wait3A_165] : memref<2560xf32, #tpu.memory_space<vmem>> -> memref<2560xf32, #tpu.memory_space<vmem>>
      %dma_wait3A_167 = arith.constant 0 : i32
      %dma_wait3A_168 = tpu.memref_slice %arg3[%dma_wait3A, %dma_wait3A_167] : memref<2x40960xf32, #tpu.memory_space<hbm>> -> memref<1x2560xf32, #tpu.memory_space<hbm>>
      %dma_wait3A_169 = tpu.memref_squeeze %dma_wait3A_168 : memref<1x2560xf32, #tpu.memory_space<hbm>> -> memref<2560xf32, #tpu.memory_space<hbm>>
      tpu.wait_dma2 semaphore(%arg8 : memref<!tpu.dma_semaphore, #tpu.memory_space<semaphore_mem>>) src(%dma_wait3A_169 : memref<2560xf32, #tpu.memory_space<hbm>>) dst(%dma_wait3A_166 : memref<2560xf32, #tpu.memory_space<vmem>>)
    } else {
    }
    %barrier3A_34 = arith.constant 0 : index
    tpu.barrier barrier_id(%barrier3A_34)
    %mul3A_35 = arith.constant 2560 : i32
    %mul3A_36 = arith.muli %arg1, %mul3A_35 : i32
    %mul3A_37 = arith.constant 2560 : i32
    %mul3A_38 = arith.muli %arg1, %mul3A_37 : i32
    "tpu.region"() ({
      %run_scoped3A = tpu.sem_alloc : memref<!tpu.dma_semaphore, #tpu.memory_space<semaphore_mem>>
      %dma_start3A = tpu.memref_slice %arg3[%arg0, %mul3A_38] : memref<2x40960xf32, #tpu.memory_space<hbm>> -> memref<1x2560xf32, #tpu.memory_space<hbm>>
      %dma_start3A_39 = tpu.memref_squeeze %dma_start3A : memref<1x2560xf32, #tpu.memory_space<hbm>> -> memref<2560xf32, #tpu.memory_space<hbm>>
      %dma_start3A_40 = tpu.memref_slice %arg4[%mul3A_36] : memref<40960xf32, #tpu.memory_space<vmem_shared>> -> memref<2560xf32, #tpu.memory_space<vmem_shared>>
      tpu.enqueue_dma source(%dma_start3A_40 : memref<2560xf32, #tpu.memory_space<vmem_shared>>) target(%dma_start3A_39 : memref<2560xf32, #tpu.memory_space<hbm>>) target_semaphore(%run_scoped3A : memref<!tpu.dma_semaphore, #tpu.memory_space<semaphore_mem>>)
      %dma_wait3A = tpu.memref_slice %arg3[%arg0, %mul3A_38] : memref<2x40960xf32, #tpu.memory_space<hbm>> -> memref<1x2560xf32, #tpu.memory_space<hbm>>
      %dma_wait3A_41 = tpu.memref_squeeze %dma_wait3A : memref<1x2560xf32, #tpu.memory_space<hbm>> -> memref<2560xf32, #tpu.memory_space<hbm>>
      %dma_wait3A_42 = tpu.memref_slice %arg4[%mul3A_36] : memref<40960xf32, #tpu.memory_space<vmem_shared>> -> memref<2560xf32, #tpu.memory_space<vmem_shared>>
      tpu.wait_dma2 semaphore(%run_scoped3A : memref<!tpu.dma_semaphore, #tpu.memory_space<semaphore_mem>>) src(%dma_wait3A_42 : memref<2560xf32, #tpu.memory_space<vmem_shared>>) dst(%dma_wait3A_41 : memref<2560xf32, #tpu.memory_space<hbm>>)
      tpu.yield
    }) : () -> ()
    return
  }
}

#map = affine_map<(d0, d1) -> (0, 0, 0)>
#map1 = affine_map<(d0, d1) -> (0, 0)>
module attributes {stable_mosaic.version = 14 : i64} {
  func.func @_msg_kernel(%arg0: i32, %arg1: i32, %arg2: memref<2500x2x128xi32, #tpu.memory_space<hbm>>, %arg3: memref<40000x128xf32, #tpu.memory_space<hbm>>, %arg4: memref<2x10000x128xf32, #tpu.memory_space<hbm>>, %arg5: memref<10000x128xf32, #tpu.memory_space<vmem_shared>>, %arg6: memref<2x128xi32, #tpu.memory_space<vmem>>, %arg7: memref<2x128xi32, #tpu.memory_space<vmem>>, %arg8: memref<2x128xi32, #tpu.memory_space<vmem>>, %arg9: memref<128x128xf32, #tpu.memory_space<vmem>>, %arg10: memref<128x128xf32, #tpu.memory_space<vmem>>, %arg11: memref<128x128xf32, #tpu.memory_space<vmem>>, %arg12: memref<!tpu.dma_semaphore, #tpu.memory_space<semaphore_mem>>, %arg13: memref<!tpu.dma_semaphore, #tpu.memory_space<semaphore_mem>>, %arg14: memref<!tpu.dma_semaphore, #tpu.memory_space<semaphore_mem>>, %arg15: memref<!tpu.dma_semaphore, #tpu.memory_space<semaphore_mem>>, %arg16: memref<!tpu.dma_semaphore, #tpu.memory_space<semaphore_mem>>, %arg17: memref<!tpu.dma_semaphore, #tpu.memory_space<semaphore_mem>>) attributes {dimension_semantics = [#tpu.dimension_semantics<core_parallel>, #tpu.dimension_semantics<subcore_parallel>], iteration_bounds = array<i64: 2, 16>, scalar_prefetch = 0 : i64, scratch_operands = 13 : i64, tpu.core_type = #tpu.core_type<sc_vector_subcore>, window_params = [{transform_indices = #map}, {transform_indices = #map1}, {transform_indices = #map}]} {
    %mul3A = arith.constant 2 : i32
    %mul3A_0 = arith.muli %arg1, %mul3A : i32
    %add3A = arith.addi %mul3A_0, %arg0 : i32
    %mul3A_1 = arith.constant 640 : i32
    %mul3A_2 = arith.muli %arg1, %mul3A_1 : i32
    %multiple_of3A = tpu.assume_multiple %mul3A_2, 8 : i32
    %broadcast_in_dim3A = arith.constant 0.000000e+00 : f32
    %broadcast_in_dim3A_3 = vector.broadcast %broadcast_in_dim3A : f32 to vector<16xf32>
    %scan3A = arith.constant 0 : i32
    %scan3A_4 = arith.constant 0 : i32
    %scan3A_5 = arith.constant 128 : i32
    %scan3A_6 = arith.addi %scan3A_4, %scan3A_5 : i32
    %scan3A_7 = arith.constant 1 : i32
    scf.for %scan3A_80 = %scan3A_4 to %scan3A_6 step %scan3A_7  : i32 {
      %swap3A = arith.index_cast %scan3A_80 : i32 to index
      %swap3A_81 = arith.constant 0 : index
      %swap3A_82 = tpu.vector_load %arg9[%swap3A, %swap3A_81] {strides = array<i32>} : memref<128x128xf32, #tpu.memory_space<vmem>>, vector<16xf32>,
      tpu.vector_store %arg9[%swap3A, %swap3A_81], %broadcast_in_dim3A_3 {strides = array<i32>} : memref<128x128xf32, #tpu.memory_space<vmem>>, vector<16xf32>,
      %swap3A_83 = arith.index_cast %scan3A_80 : i32 to index
      %swap3A_84 = arith.constant 16 : index
      %swap3A_85 = tpu.vector_load %arg9[%swap3A_83, %swap3A_84] {strides = array<i32>} : memref<128x128xf32, #tpu.memory_space<vmem>>, vector<16xf32>,
      tpu.vector_store %arg9[%swap3A_83, %swap3A_84], %broadcast_in_dim3A_3 {strides = array<i32>} : memref<128x128xf32, #tpu.memory_space<vmem>>, vector<16xf32>,
      %swap3A_86 = arith.index_cast %scan3A_80 : i32 to index
      %swap3A_87 = arith.constant 32 : index
      %swap3A_88 = tpu.vector_load %arg9[%swap3A_86, %swap3A_87] {strides = array<i32>} : memref<128x128xf32, #tpu.memory_space<vmem>>, vector<16xf32>,
      tpu.vector_store %arg9[%swap3A_86, %swap3A_87], %broadcast_in_dim3A_3 {strides = array<i32>} : memref<128x128xf32, #tpu.memory_space<vmem>>, vector<16xf32>,
      %swap3A_89 = arith.index_cast %scan3A_80 : i32 to index
      %swap3A_90 = arith.constant 48 : index
      %swap3A_91 = tpu.vector_load %arg9[%swap3A_89, %swap3A_90] {strides = array<i32>} : memref<128x128xf32, #tpu.memory_space<vmem>>, vector<16xf32>,
      tpu.vector_store %arg9[%swap3A_89, %swap3A_90], %broadcast_in_dim3A_3 {strides = array<i32>} : memref<128x128xf32, #tpu.memory_space<vmem>>, vector<16xf32>,
      %swap3A_92 = arith.index_cast %scan3A_80 : i32 to index
      %swap3A_93 = arith.constant 64 : index
      %swap3A_94 = tpu.vector_load %arg9[%swap3A_92, %swap3A_93] {strides = array<i32>} : memref<128x128xf32, #tpu.memory_space<vmem>>, vector<16xf32>,
      tpu.vector_store %arg9[%swap3A_92, %swap3A_93], %broadcast_in_dim3A_3 {strides = array<i32>} : memref<128x128xf32, #tpu.memory_space<vmem>>, vector<16xf32>,
      %swap3A_95 = arith.index_cast %scan3A_80 : i32 to index
      %swap3A_96 = arith.constant 80 : index
      %swap3A_97 = tpu.vector_load %arg9[%swap3A_95, %swap3A_96] {strides = array<i32>} : memref<128x128xf32, #tpu.memory_space<vmem>>, vector<16xf32>,
      tpu.vector_store %arg9[%swap3A_95, %swap3A_96], %broadcast_in_dim3A_3 {strides = array<i32>} : memref<128x128xf32, #tpu.memory_space<vmem>>, vector<16xf32>,
      %swap3A_98 = arith.index_cast %scan3A_80 : i32 to index
      %swap3A_99 = arith.constant 96 : index
      %swap3A_100 = tpu.vector_load %arg9[%swap3A_98, %swap3A_99] {strides = array<i32>} : memref<128x128xf32, #tpu.memory_space<vmem>>, vector<16xf32>,
      tpu.vector_store %arg9[%swap3A_98, %swap3A_99], %broadcast_in_dim3A_3 {strides = array<i32>} : memref<128x128xf32, #tpu.memory_space<vmem>>, vector<16xf32>,
      %swap3A_101 = arith.index_cast %scan3A_80 : i32 to index
      %swap3A_102 = arith.constant 112 : index
      %swap3A_103 = tpu.vector_load %arg9[%swap3A_101, %swap3A_102] {strides = array<i32>} : memref<128x128xf32, #tpu.memory_space<vmem>>, vector<16xf32>,
      tpu.vector_store %arg9[%swap3A_101, %swap3A_102], %broadcast_in_dim3A_3 {strides = array<i32>} : memref<128x128xf32, #tpu.memory_space<vmem>>, vector<16xf32>,
    }
    %scan3A_8 = arith.constant 128 : i32
    %lt3A = arith.constant 15 : i32
    %lt3A_9 = arith.cmpi slt, %arg1, %lt3A : i32
    %convert_element_type3A = arith.extui %lt3A_9 : i1 to i32
    %cond3A = arith.constant 0 : i32
    %cond3A_10 = arith.cmpi ne, %convert_element_type3A, %cond3A : i32
    scf.if %cond3A_10 {
      %add3A_80 = arith.constant 0 : i32
      %add3A_81 = arith.addi %multiple_of3A, %add3A_80 : i32
      "tpu.region"() ({
        %run_scoped3A = tpu.sem_alloc : memref<!tpu.dma_semaphore, #tpu.memory_space<semaphore_mem>>
        %dma_start3A_90 = arith.constant 0 : i32
        %dma_start3A_91 = tpu.memref_slice %arg5[%add3A_81, %dma_start3A_90] : memref<10000x128xf32, #tpu.memory_space<vmem_shared>> -> memref<128x128xf32, #tpu.memory_space<vmem_shared>>
        %dma_start3A_92 = arith.constant 0 : i32
        %dma_start3A_93 = tpu.memref_slice %arg5[%add3A_81, %dma_start3A_92] : memref<10000x128xf32, #tpu.memory_space<vmem_shared>> -> memref<128x128xf32, #tpu.memory_space<vmem_shared>>
        tpu.enqueue_dma source(%arg9 : memref<128x128xf32, #tpu.memory_space<vmem>>) target(%dma_start3A_93 : memref<128x128xf32, #tpu.memory_space<vmem_shared>>) target_semaphore(%run_scoped3A : memref<!tpu.dma_semaphore, #tpu.memory_space<semaphore_mem>>)
        %dma_wait3A_94 = arith.constant 0 : i32
        %dma_wait3A_95 = tpu.memref_slice %arg5[%add3A_81, %dma_wait3A_94] : memref<10000x128xf32, #tpu.memory_space<vmem_shared>> -> memref<128x128xf32, #tpu.memory_space<vmem_shared>>
        %dma_wait3A_96 = arith.constant 0 : i32
        %dma_wait3A_97 = tpu.memref_slice %arg5[%add3A_81, %dma_wait3A_96] : memref<10000x128xf32, #tpu.memory_space<vmem_shared>> -> memref<128x128xf32, #tpu.memory_space<vmem_shared>>
        tpu.wait_dma2 semaphore(%run_scoped3A : memref<!tpu.dma_semaphore, #tpu.memory_space<semaphore_mem>>) src(%arg9 : memref<128x128xf32, #tpu.memory_space<vmem>>) dst(%dma_wait3A_97 : memref<128x128xf32, #tpu.memory_space<vmem_shared>>)
        tpu.yield
      }) : () -> ()
      %add3A_82 = arith.constant 128 : i32
      %add3A_83 = arith.addi %multiple_of3A, %add3A_82 : i32
      "tpu.region"() ({
        %run_scoped3A = tpu.sem_alloc : memref<!tpu.dma_semaphore, #tpu.memory_space<semaphore_mem>>
        %dma_start3A_90 = arith.constant 0 : i32
        %dma_start3A_91 = tpu.memref_slice %arg5[%add3A_83, %dma_start3A_90] : memref<10000x128xf32, #tpu.memory_space<vmem_shared>> -> memref<128x128xf32, #tpu.memory_space<vmem_shared>>
        %dma_start3A_92 = arith.constant 0 : i32
        %dma_start3A_93 = tpu.memref_slice %arg5[%add3A_83, %dma_start3A_92] : memref<10000x128xf32, #tpu.memory_space<vmem_shared>> -> memref<128x128xf32, #tpu.memory_space<vmem_shared>>
        tpu.enqueue_dma source(%arg9 : memref<128x128xf32, #tpu.memory_space<vmem>>) target(%dma_start3A_93 : memref<128x128xf32, #tpu.memory_space<vmem_shared>>) target_semaphore(%run_scoped3A : memref<!tpu.dma_semaphore, #tpu.memory_space<semaphore_mem>>)
        %dma_wait3A_94 = arith.constant 0 : i32
        %dma_wait3A_95 = tpu.memref_slice %arg5[%add3A_83, %dma_wait3A_94] : memref<10000x128xf32, #tpu.memory_space<vmem_shared>> -> memref<128x128xf32, #tpu.memory_space<vmem_shared>>
        %dma_wait3A_96 = arith.constant 0 : i32
        %dma_wait3A_97 = tpu.memref_slice %arg5[%add3A_83, %dma_wait3A_96] : memref<10000x128xf32, #tpu.memory_space<vmem_shared>> -> memref<128x128xf32, #tpu.memory_space<vmem_shared>>
        tpu.wait_dma2 semaphore(%run_scoped3A : memref<!tpu.dma_semaphore, #tpu.memory_space<semaphore_mem>>) src(%arg9 : memref<128x128xf32, #tpu.memory_space<vmem>>) dst(%dma_wait3A_97 : memref<128x128xf32, #tpu.memory_space<vmem_shared>>)
        tpu.yield
      }) : () -> ()
      %add3A_84 = arith.constant 256 : i32
      %add3A_85 = arith.addi %multiple_of3A, %add3A_84 : i32
      "tpu.region"() ({
        %run_scoped3A = tpu.sem_alloc : memref<!tpu.dma_semaphore, #tpu.memory_space<semaphore_mem>>
        %dma_start3A_90 = arith.constant 0 : i32
        %dma_start3A_91 = tpu.memref_slice %arg5[%add3A_85, %dma_start3A_90] : memref<10000x128xf32, #tpu.memory_space<vmem_shared>> -> memref<128x128xf32, #tpu.memory_space<vmem_shared>>
        %dma_start3A_92 = arith.constant 0 : i32
        %dma_start3A_93 = tpu.memref_slice %arg5[%add3A_85, %dma_start3A_92] : memref<10000x128xf32, #tpu.memory_space<vmem_shared>> -> memref<128x128xf32, #tpu.memory_space<vmem_shared>>
        tpu.enqueue_dma source(%arg9 : memref<128x128xf32, #tpu.memory_space<vmem>>) target(%dma_start3A_93 : memref<128x128xf32, #tpu.memory_space<vmem_shared>>) target_semaphore(%run_scoped3A : memref<!tpu.dma_semaphore, #tpu.memory_space<semaphore_mem>>)
        %dma_wait3A_94 = arith.constant 0 : i32
        %dma_wait3A_95 = tpu.memref_slice %arg5[%add3A_85, %dma_wait3A_94] : memref<10000x128xf32, #tpu.memory_space<vmem_shared>> -> memref<128x128xf32, #tpu.memory_space<vmem_shared>>
        %dma_wait3A_96 = arith.constant 0 : i32
        %dma_wait3A_97 = tpu.memref_slice %arg5[%add3A_85, %dma_wait3A_96] : memref<10000x128xf32, #tpu.memory_space<vmem_shared>> -> memref<128x128xf32, #tpu.memory_space<vmem_shared>>
        tpu.wait_dma2 semaphore(%run_scoped3A : memref<!tpu.dma_semaphore, #tpu.memory_space<semaphore_mem>>) src(%arg9 : memref<128x128xf32, #tpu.memory_space<vmem>>) dst(%dma_wait3A_97 : memref<128x128xf32, #tpu.memory_space<vmem_shared>>)
        tpu.yield
      }) : () -> ()
      %add3A_86 = arith.constant 384 : i32
      %add3A_87 = arith.addi %multiple_of3A, %add3A_86 : i32
      "tpu.region"() ({
        %run_scoped3A = tpu.sem_alloc : memref<!tpu.dma_semaphore, #tpu.memory_space<semaphore_mem>>
        %dma_start3A_90 = arith.constant 0 : i32
        %dma_start3A_91 = tpu.memref_slice %arg5[%add3A_87, %dma_start3A_90] : memref<10000x128xf32, #tpu.memory_space<vmem_shared>> -> memref<128x128xf32, #tpu.memory_space<vmem_shared>>
        %dma_start3A_92 = arith.constant 0 : i32
        %dma_start3A_93 = tpu.memref_slice %arg5[%add3A_87, %dma_start3A_92] : memref<10000x128xf32, #tpu.memory_space<vmem_shared>> -> memref<128x128xf32, #tpu.memory_space<vmem_shared>>
        tpu.enqueue_dma source(%arg9 : memref<128x128xf32, #tpu.memory_space<vmem>>) target(%dma_start3A_93 : memref<128x128xf32, #tpu.memory_space<vmem_shared>>) target_semaphore(%run_scoped3A : memref<!tpu.dma_semaphore, #tpu.memory_space<semaphore_mem>>)
        %dma_wait3A_94 = arith.constant 0 : i32
        %dma_wait3A_95 = tpu.memref_slice %arg5[%add3A_87, %dma_wait3A_94] : memref<10000x128xf32, #tpu.memory_space<vmem_shared>> -> memref<128x128xf32, #tpu.memory_space<vmem_shared>>
        %dma_wait3A_96 = arith.constant 0 : i32
        %dma_wait3A_97 = tpu.memref_slice %arg5[%add3A_87, %dma_wait3A_96] : memref<10000x128xf32, #tpu.memory_space<vmem_shared>> -> memref<128x128xf32, #tpu.memory_space<vmem_shared>>
        tpu.wait_dma2 semaphore(%run_scoped3A : memref<!tpu.dma_semaphore, #tpu.memory_space<semaphore_mem>>) src(%arg9 : memref<128x128xf32, #tpu.memory_space<vmem>>) dst(%dma_wait3A_97 : memref<128x128xf32, #tpu.memory_space<vmem_shared>>)
        tpu.yield
      }) : () -> ()
      %add3A_88 = arith.constant 512 : i32
      %add3A_89 = arith.addi %multiple_of3A, %add3A_88 : i32
      "tpu.region"() ({
        %run_scoped3A = tpu.sem_alloc : memref<!tpu.dma_semaphore, #tpu.memory_space<semaphore_mem>>
        %dma_start3A_90 = arith.constant 0 : i32
        %dma_start3A_91 = tpu.memref_slice %arg5[%add3A_89, %dma_start3A_90] : memref<10000x128xf32, #tpu.memory_space<vmem_shared>> -> memref<128x128xf32, #tpu.memory_space<vmem_shared>>
        %dma_start3A_92 = arith.constant 0 : i32
        %dma_start3A_93 = tpu.memref_slice %arg5[%add3A_89, %dma_start3A_92] : memref<10000x128xf32, #tpu.memory_space<vmem_shared>> -> memref<128x128xf32, #tpu.memory_space<vmem_shared>>
        tpu.enqueue_dma source(%arg9 : memref<128x128xf32, #tpu.memory_space<vmem>>) target(%dma_start3A_93 : memref<128x128xf32, #tpu.memory_space<vmem_shared>>) target_semaphore(%run_scoped3A : memref<!tpu.dma_semaphore, #tpu.memory_space<semaphore_mem>>)
        %dma_wait3A_94 = arith.constant 0 : i32
        %dma_wait3A_95 = tpu.memref_slice %arg5[%add3A_89, %dma_wait3A_94] : memref<10000x128xf32, #tpu.memory_space<vmem_shared>> -> memref<128x128xf32, #tpu.memory_space<vmem_shared>>
        %dma_wait3A_96 = arith.constant 0 : i32
        %dma_wait3A_97 = tpu.memref_slice %arg5[%add3A_89, %dma_wait3A_96] : memref<10000x128xf32, #tpu.memory_space<vmem_shared>> -> memref<128x128xf32, #tpu.memory_space<vmem_shared>>
        tpu.wait_dma2 semaphore(%run_scoped3A : memref<!tpu.dma_semaphore, #tpu.memory_space<semaphore_mem>>) src(%arg9 : memref<128x128xf32, #tpu.memory_space<vmem>>) dst(%dma_wait3A_97 : memref<128x128xf32, #tpu.memory_space<vmem_shared>>)
        tpu.yield
      }) : () -> ()
    } else {
    }
    %eq3A = arith.constant 15 : i32
    %eq3A_11 = arith.cmpi eq, %arg1, %eq3A : i32
    %convert_element_type3A_12 = arith.extui %eq3A_11 : i1 to i32
    %cond3A_13 = arith.constant 0 : i32
    %cond3A_14 = arith.cmpi ne, %convert_element_type3A_12, %cond3A_13 : i32
    scf.if %cond3A_14 {
      "tpu.region"() ({
        %run_scoped3A = tpu.sem_alloc : memref<!tpu.dma_semaphore, #tpu.memory_space<semaphore_mem>>
        %dma_start3A_80 = arith.constant 9600 : i32
        %dma_start3A_81 = arith.constant 0 : i32
        %dma_start3A_82 = tpu.memref_slice %arg5[%dma_start3A_80, %dma_start3A_81] : memref<10000x128xf32, #tpu.memory_space<vmem_shared>> -> memref<128x128xf32, #tpu.memory_space<vmem_shared>>
        %dma_start3A_83 = arith.constant 9600 : i32
        %dma_start3A_84 = arith.constant 0 : i32
        %dma_start3A_85 = tpu.memref_slice %arg5[%dma_start3A_83, %dma_start3A_84] : memref<10000x128xf32, #tpu.memory_space<vmem_shared>> -> memref<128x128xf32, #tpu.memory_space<vmem_shared>>
        tpu.enqueue_dma source(%arg9 : memref<128x128xf32, #tpu.memory_space<vmem>>) target(%dma_start3A_85 : memref<128x128xf32, #tpu.memory_space<vmem_shared>>) target_semaphore(%run_scoped3A : memref<!tpu.dma_semaphore, #tpu.memory_space<semaphore_mem>>)
        %dma_wait3A_86 = arith.constant 9600 : i32
        %dma_wait3A_87 = arith.constant 0 : i32
        %dma_wait3A_88 = tpu.memref_slice %arg5[%dma_wait3A_86, %dma_wait3A_87] : memref<10000x128xf32, #tpu.memory_space<vmem_shared>> -> memref<128x128xf32, #tpu.memory_space<vmem_shared>>
        %dma_wait3A_89 = arith.constant 9600 : i32
        %dma_wait3A_90 = arith.constant 0 : i32
        %dma_wait3A_91 = tpu.memref_slice %arg5[%dma_wait3A_89, %dma_wait3A_90] : memref<10000x128xf32, #tpu.memory_space<vmem_shared>> -> memref<128x128xf32, #tpu.memory_space<vmem_shared>>
        tpu.wait_dma2 semaphore(%run_scoped3A : memref<!tpu.dma_semaphore, #tpu.memory_space<semaphore_mem>>) src(%arg9 : memref<128x128xf32, #tpu.memory_space<vmem>>) dst(%dma_wait3A_91 : memref<128x128xf32, #tpu.memory_space<vmem_shared>>)
        tpu.yield
      }) : () -> ()
      "tpu.region"() ({
        %run_scoped3A = tpu.sem_alloc : memref<!tpu.dma_semaphore, #tpu.memory_space<semaphore_mem>>
        %dma_start3A_80 = arith.constant 9728 : i32
        %dma_start3A_81 = arith.constant 0 : i32
        %dma_start3A_82 = tpu.memref_slice %arg5[%dma_start3A_80, %dma_start3A_81] : memref<10000x128xf32, #tpu.memory_space<vmem_shared>> -> memref<128x128xf32, #tpu.memory_space<vmem_shared>>
        %dma_start3A_83 = arith.constant 9728 : i32
        %dma_start3A_84 = arith.constant 0 : i32
        %dma_start3A_85 = tpu.memref_slice %arg5[%dma_start3A_83, %dma_start3A_84] : memref<10000x128xf32, #tpu.memory_space<vmem_shared>> -> memref<128x128xf32, #tpu.memory_space<vmem_shared>>
        tpu.enqueue_dma source(%arg9 : memref<128x128xf32, #tpu.memory_space<vmem>>) target(%dma_start3A_85 : memref<128x128xf32, #tpu.memory_space<vmem_shared>>) target_semaphore(%run_scoped3A : memref<!tpu.dma_semaphore, #tpu.memory_space<semaphore_mem>>)
        %dma_wait3A_86 = arith.constant 9728 : i32
        %dma_wait3A_87 = arith.constant 0 : i32
        %dma_wait3A_88 = tpu.memref_slice %arg5[%dma_wait3A_86, %dma_wait3A_87] : memref<10000x128xf32, #tpu.memory_space<vmem_shared>> -> memref<128x128xf32, #tpu.memory_space<vmem_shared>>
        %dma_wait3A_89 = arith.constant 9728 : i32
        %dma_wait3A_90 = arith.constant 0 : i32
        %dma_wait3A_91 = tpu.memref_slice %arg5[%dma_wait3A_89, %dma_wait3A_90] : memref<10000x128xf32, #tpu.memory_space<vmem_shared>> -> memref<128x128xf32, #tpu.memory_space<vmem_shared>>
        tpu.wait_dma2 semaphore(%run_scoped3A : memref<!tpu.dma_semaphore, #tpu.memory_space<semaphore_mem>>) src(%arg9 : memref<128x128xf32, #tpu.memory_space<vmem>>) dst(%dma_wait3A_91 : memref<128x128xf32, #tpu.memory_space<vmem_shared>>)
        tpu.yield
      }) : () -> ()
      "tpu.region"() ({
        %run_scoped3A = tpu.sem_alloc : memref<!tpu.dma_semaphore, #tpu.memory_space<semaphore_mem>>
        %dma_start3A_80 = arith.constant 9856 : i32
        %dma_start3A_81 = arith.constant 0 : i32
        %dma_start3A_82 = tpu.memref_slice %arg5[%dma_start3A_80, %dma_start3A_81] : memref<10000x128xf32, #tpu.memory_space<vmem_shared>> -> memref<128x128xf32, #tpu.memory_space<vmem_shared>>
        %dma_start3A_83 = arith.constant 9856 : i32
        %dma_start3A_84 = arith.constant 0 : i32
        %dma_start3A_85 = tpu.memref_slice %arg5[%dma_start3A_83, %dma_start3A_84] : memref<10000x128xf32, #tpu.memory_space<vmem_shared>> -> memref<128x128xf32, #tpu.memory_space<vmem_shared>>
        tpu.enqueue_dma source(%arg9 : memref<128x128xf32, #tpu.memory_space<vmem>>) target(%dma_start3A_85 : memref<128x128xf32, #tpu.memory_space<vmem_shared>>) target_semaphore(%run_scoped3A : memref<!tpu.dma_semaphore, #tpu.memory_space<semaphore_mem>>)
        %dma_wait3A_86 = arith.constant 9856 : i32
        %dma_wait3A_87 = arith.constant 0 : i32
        %dma_wait3A_88 = tpu.memref_slice %arg5[%dma_wait3A_86, %dma_wait3A_87] : memref<10000x128xf32, #tpu.memory_space<vmem_shared>> -> memref<128x128xf32, #tpu.memory_space<vmem_shared>>
        %dma_wait3A_89 = arith.constant 9856 : i32
        %dma_wait3A_90 = arith.constant 0 : i32
        %dma_wait3A_91 = tpu.memref_slice %arg5[%dma_wait3A_89, %dma_wait3A_90] : memref<10000x128xf32, #tpu.memory_space<vmem_shared>> -> memref<128x128xf32, #tpu.memory_space<vmem_shared>>
        tpu.wait_dma2 semaphore(%run_scoped3A : memref<!tpu.dma_semaphore, #tpu.memory_space<semaphore_mem>>) src(%arg9 : memref<128x128xf32, #tpu.memory_space<vmem>>) dst(%dma_wait3A_91 : memref<128x128xf32, #tpu.memory_space<vmem_shared>>)
        tpu.yield
      }) : () -> ()
      "tpu.region"() ({
        %run_scoped3A = tpu.sem_alloc : memref<!tpu.dma_semaphore, #tpu.memory_space<semaphore_mem>>
        %dma_start3A_80 = arith.constant 0 : i32
        %dma_start3A_81 = arith.constant 0 : i32
        %dma_start3A_82 = tpu.memref_slice %arg9[%dma_start3A_80, %dma_start3A_81] : memref<128x128xf32, #tpu.memory_space<vmem>> -> memref<16x128xf32, #tpu.memory_space<vmem>>
        %dma_start3A_83 = arith.constant 9984 : i32
        %dma_start3A_84 = arith.constant 0 : i32
        %dma_start3A_85 = tpu.memref_slice %arg5[%dma_start3A_83, %dma_start3A_84] : memref<10000x128xf32, #tpu.memory_space<vmem_shared>> -> memref<16x128xf32, #tpu.memory_space<vmem_shared>>
        %dma_start3A_86 = arith.constant 9984 : i32
        %dma_start3A_87 = arith.constant 0 : i32
        %dma_start3A_88 = tpu.memref_slice %arg5[%dma_start3A_86, %dma_start3A_87] : memref<10000x128xf32, #tpu.memory_space<vmem_shared>> -> memref<16x128xf32, #tpu.memory_space<vmem_shared>>
        %dma_start3A_89 = arith.constant 0 : i32
        %dma_start3A_90 = arith.constant 0 : i32
        %dma_start3A_91 = tpu.memref_slice %arg9[%dma_start3A_89, %dma_start3A_90] : memref<128x128xf32, #tpu.memory_space<vmem>> -> memref<16x128xf32, #tpu.memory_space<vmem>>
        tpu.enqueue_dma source(%dma_start3A_91 : memref<16x128xf32, #tpu.memory_space<vmem>>) target(%dma_start3A_88 : memref<16x128xf32, #tpu.memory_space<vmem_shared>>) target_semaphore(%run_scoped3A : memref<!tpu.dma_semaphore, #tpu.memory_space<semaphore_mem>>)
        %dma_wait3A_92 = arith.constant 0 : i32
        %dma_wait3A_93 = arith.constant 0 : i32
        %dma_wait3A_94 = tpu.memref_slice %arg9[%dma_wait3A_92, %dma_wait3A_93] : memref<128x128xf32, #tpu.memory_space<vmem>> -> memref<16x128xf32, #tpu.memory_space<vmem>>
        %dma_wait3A_95 = arith.constant 9984 : i32
        %dma_wait3A_96 = arith.constant 0 : i32
        %dma_wait3A_97 = tpu.memref_slice %arg5[%dma_wait3A_95, %dma_wait3A_96] : memref<10000x128xf32, #tpu.memory_space<vmem_shared>> -> memref<16x128xf32, #tpu.memory_space<vmem_shared>>
        %dma_wait3A_98 = arith.constant 9984 : i32
        %dma_wait3A_99 = arith.constant 0 : i32
        %dma_wait3A_100 = tpu.memref_slice %arg5[%dma_wait3A_98, %dma_wait3A_99] : memref<10000x128xf32, #tpu.memory_space<vmem_shared>> -> memref<16x128xf32, #tpu.memory_space<vmem_shared>>
        %dma_wait3A_101 = arith.constant 0 : i32
        %dma_wait3A_102 = arith.constant 0 : i32
        %dma_wait3A_103 = tpu.memref_slice %arg9[%dma_wait3A_101, %dma_wait3A_102] : memref<128x128xf32, #tpu.memory_space<vmem>> -> memref<16x128xf32, #tpu.memory_space<vmem>>
        tpu.wait_dma2 semaphore(%run_scoped3A : memref<!tpu.dma_semaphore, #tpu.memory_space<semaphore_mem>>) src(%dma_wait3A_103 : memref<16x128xf32, #tpu.memory_space<vmem>>) dst(%dma_wait3A_100 : memref<16x128xf32, #tpu.memory_space<vmem_shared>>)
        tpu.yield
      }) : () -> ()
    } else {
    }
    %barrier3A = arith.constant 0 : index
    tpu.barrier barrier_id(%barrier3A)
    %add3A_15 = arith.constant 0 : i32
    %add3A_16 = arith.addi %add3A, %add3A_15 : i32
    "tpu.region"() ({
      %run_scoped3A = tpu.sem_alloc : memref<!tpu.dma_semaphore, #tpu.memory_space<semaphore_mem>>
      %dma_start3A_80 = arith.constant 0 : i32
      %dma_start3A_81 = arith.constant 0 : i32
      %dma_start3A_82 = tpu.memref_slice %arg2[%add3A_16, %dma_start3A_80, %dma_start3A_81] : memref<2500x2x128xi32, #tpu.memory_space<hbm>> -> memref<1x2x128xi32, #tpu.memory_space<hbm>>
      %dma_start3A_83 = tpu.memref_squeeze %dma_start3A_82 : memref<1x2x128xi32, #tpu.memory_space<hbm>> -> memref<2x128xi32, #tpu.memory_space<hbm>>
      %dma_start3A_84 = arith.constant 0 : i32
      %dma_start3A_85 = arith.constant 0 : i32
      %dma_start3A_86 = tpu.memref_slice %arg2[%add3A_16, %dma_start3A_84, %dma_start3A_85] : memref<2500x2x128xi32, #tpu.memory_space<hbm>> -> memref<1x2x128xi32, #tpu.memory_space<hbm>>
      %dma_start3A_87 = tpu.memref_squeeze %dma_start3A_86 : memref<1x2x128xi32, #tpu.memory_space<hbm>> -> memref<2x128xi32, #tpu.memory_space<hbm>>
      tpu.enqueue_dma source(%dma_start3A_87 : memref<2x128xi32, #tpu.memory_space<hbm>>) target(%arg6 : memref<2x128xi32, #tpu.memory_space<vmem>>) target_semaphore(%run_scoped3A : memref<!tpu.dma_semaphore, #tpu.memory_space<semaphore_mem>>)
      %dma_wait3A_88 = arith.constant 0 : i32
      %dma_wait3A_89 = arith.constant 0 : i32
      %dma_wait3A_90 = tpu.memref_slice %arg2[%add3A_16, %dma_wait3A_88, %dma_wait3A_89] : memref<2500x2x128xi32, #tpu.memory_space<hbm>> -> memref<1x2x128xi32, #tpu.memory_space<hbm>>
      %dma_wait3A_91 = tpu.memref_squeeze %dma_wait3A_90 : memref<1x2x128xi32, #tpu.memory_space<hbm>> -> memref<2x128xi32, #tpu.memory_space<hbm>>
      %dma_wait3A_92 = arith.constant 0 : i32
      %dma_wait3A_93 = arith.constant 0 : i32
      %dma_wait3A_94 = tpu.memref_slice %arg2[%add3A_16, %dma_wait3A_92, %dma_wait3A_93] : memref<2500x2x128xi32, #tpu.memory_space<hbm>> -> memref<1x2x128xi32, #tpu.memory_space<hbm>>
      %dma_wait3A_95 = tpu.memref_squeeze %dma_wait3A_94 : memref<1x2x128xi32, #tpu.memory_space<hbm>> -> memref<2x128xi32, #tpu.memory_space<hbm>>
      tpu.wait_dma2 semaphore(%run_scoped3A : memref<!tpu.dma_semaphore, #tpu.memory_space<semaphore_mem>>) src(%dma_wait3A_95 : memref<2x128xi32, #tpu.memory_space<hbm>>) dst(%arg6 : memref<2x128xi32, #tpu.memory_space<vmem>>)
      tpu.yield
    }) : () -> ()
    %dma_start3A = arith.constant 0 : i32
    %dma_start3A_17 = arith.constant 0 : i32
    %dma_start3A_18 = tpu.memref_slice %arg6[%dma_start3A, %dma_start3A_17] : memref<2x128xi32, #tpu.memory_space<vmem>> -> memref<1x128xi32, #tpu.memory_space<vmem>>
    %dma_start3A_19 = tpu.memref_squeeze %dma_start3A_18 : memref<1x128xi32, #tpu.memory_space<vmem>> -> memref<128xi32, #tpu.memory_space<vmem>>
    %dma_start3A_20 = arith.constant 0 : i32
    %dma_start3A_21 = arith.constant 0 : i32
    %dma_start3A_22 = tpu.memref_slice %arg3[%dma_start3A_20, %dma_start3A_21] : memref<40000x128xf32, #tpu.memory_space<hbm>> -> memref<40000x128xf32, #tpu.memory_space<hbm>>
    tpu.enqueue_indirect_dma source(%dma_start3A_22 : memref<40000x128xf32, #tpu.memory_space<hbm>>) target(%arg9 : memref<128x128xf32, #tpu.memory_space<vmem>>) offsets(%dma_start3A_19 : memref<128xi32, #tpu.memory_space<vmem>>) semaphore(%arg12 : memref<!tpu.dma_semaphore, #tpu.memory_space<semaphore_mem>>)
    %add3A_23 = arith.constant 32 : i32
    %add3A_24 = arith.addi %add3A, %add3A_23 : i32
    "tpu.region"() ({
      %run_scoped3A = tpu.sem_alloc : memref<!tpu.dma_semaphore, #tpu.memory_space<semaphore_mem>>
      %dma_start3A_80 = arith.constant 0 : i32
      %dma_start3A_81 = arith.constant 0 : i32
      %dma_start3A_82 = tpu.memref_slice %arg2[%add3A_24, %dma_start3A_80, %dma_start3A_81] : memref<2500x2x128xi32, #tpu.memory_space<hbm>> -> memref<1x2x128xi32, #tpu.memory_space<hbm>>
      %dma_start3A_83 = tpu.memref_squeeze %dma_start3A_82 : memref<1x2x128xi32, #tpu.memory_space<hbm>> -> memref<2x128xi32, #tpu.memory_space<hbm>>
      %dma_start3A_84 = arith.constant 0 : i32
      %dma_start3A_85 = arith.constant 0 : i32
      %dma_start3A_86 = tpu.memref_slice %arg2[%add3A_24, %dma_start3A_84, %dma_start3A_85] : memref<2500x2x128xi32, #tpu.memory_space<hbm>> -> memref<1x2x128xi32, #tpu.memory_space<hbm>>
      %dma_start3A_87 = tpu.memref_squeeze %dma_start3A_86 : memref<1x2x128xi32, #tpu.memory_space<hbm>> -> memref<2x128xi32, #tpu.memory_space<hbm>>
      tpu.enqueue_dma source(%dma_start3A_87 : memref<2x128xi32, #tpu.memory_space<hbm>>) target(%arg7 : memref<2x128xi32, #tpu.memory_space<vmem>>) target_semaphore(%run_scoped3A : memref<!tpu.dma_semaphore, #tpu.memory_space<semaphore_mem>>)
      %dma_wait3A_88 = arith.constant 0 : i32
      %dma_wait3A_89 = arith.constant 0 : i32
      %dma_wait3A_90 = tpu.memref_slice %arg2[%add3A_24, %dma_wait3A_88, %dma_wait3A_89] : memref<2500x2x128xi32, #tpu.memory_space<hbm>> -> memref<1x2x128xi32, #tpu.memory_space<hbm>>
      %dma_wait3A_91 = tpu.memref_squeeze %dma_wait3A_90 : memref<1x2x128xi32, #tpu.memory_space<hbm>> -> memref<2x128xi32, #tpu.memory_space<hbm>>
      %dma_wait3A_92 = arith.constant 0 : i32
      %dma_wait3A_93 = arith.constant 0 : i32
      %dma_wait3A_94 = tpu.memref_slice %arg2[%add3A_24, %dma_wait3A_92, %dma_wait3A_93] : memref<2500x2x128xi32, #tpu.memory_space<hbm>> -> memref<1x2x128xi32, #tpu.memory_space<hbm>>
      %dma_wait3A_95 = tpu.memref_squeeze %dma_wait3A_94 : memref<1x2x128xi32, #tpu.memory_space<hbm>> -> memref<2x128xi32, #tpu.memory_space<hbm>>
      tpu.wait_dma2 semaphore(%run_scoped3A : memref<!tpu.dma_semaphore, #tpu.memory_space<semaphore_mem>>) src(%dma_wait3A_95 : memref<2x128xi32, #tpu.memory_space<hbm>>) dst(%arg7 : memref<2x128xi32, #tpu.memory_space<vmem>>)
      tpu.yield
    }) : () -> ()
    %dma_start3A_25 = arith.constant 0 : i32
    %dma_start3A_26 = arith.constant 0 : i32
    %dma_start3A_27 = tpu.memref_slice %arg7[%dma_start3A_25, %dma_start3A_26] : memref<2x128xi32, #tpu.memory_space<vmem>> -> memref<1x128xi32, #tpu.memory_space<vmem>>
    %dma_start3A_28 = tpu.memref_squeeze %dma_start3A_27 : memref<1x128xi32, #tpu.memory_space<vmem>> -> memref<128xi32, #tpu.memory_space<vmem>>
    %dma_start3A_29 = arith.constant 0 : i32
    %dma_start3A_30 = arith.constant 0 : i32
    %dma_start3A_31 = tpu.memref_slice %arg3[%dma_start3A_29, %dma_start3A_30] : memref<40000x128xf32, #tpu.memory_space<hbm>> -> memref<40000x128xf32, #tpu.memory_space<hbm>>
    tpu.enqueue_indirect_dma source(%dma_start3A_31 : memref<40000x128xf32, #tpu.memory_space<hbm>>) target(%arg10 : memref<128x128xf32, #tpu.memory_space<vmem>>) offsets(%dma_start3A_28 : memref<128xi32, #tpu.memory_space<vmem>>) semaphore(%arg13 : memref<!tpu.dma_semaphore, #tpu.memory_space<semaphore_mem>>)
    %add3A_32 = arith.constant 64 : i32
    %add3A_33 = arith.addi %add3A, %add3A_32 : i32
    "tpu.region"() ({
      %run_scoped3A = tpu.sem_alloc : memref<!tpu.dma_semaphore, #tpu.memory_space<semaphore_mem>>
      %dma_start3A_80 = arith.constant 0 : i32
      %dma_start3A_81 = arith.constant 0 : i32
      %dma_start3A_82 = tpu.memref_slice %arg2[%add3A_33, %dma_start3A_80, %dma_start3A_81] : memref<2500x2x128xi32, #tpu.memory_space<hbm>> -> memref<1x2x128xi32, #tpu.memory_space<hbm>>
      %dma_start3A_83 = tpu.memref_squeeze %dma_start3A_82 : memref<1x2x128xi32, #tpu.memory_space<hbm>> -> memref<2x128xi32, #tpu.memory_space<hbm>>
      %dma_start3A_84 = arith.constant 0 : i32
      %dma_start3A_85 = arith.constant 0 : i32
      %dma_start3A_86 = tpu.memref_slice %arg2[%add3A_33, %dma_start3A_84, %dma_start3A_85] : memref<2500x2x128xi32, #tpu.memory_space<hbm>> -> memref<1x2x128xi32, #tpu.memory_space<hbm>>
      %dma_start3A_87 = tpu.memref_squeeze %dma_start3A_86 : memref<1x2x128xi32, #tpu.memory_space<hbm>> -> memref<2x128xi32, #tpu.memory_space<hbm>>
      tpu.enqueue_dma source(%dma_start3A_87 : memref<2x128xi32, #tpu.memory_space<hbm>>) target(%arg8 : memref<2x128xi32, #tpu.memory_space<vmem>>) target_semaphore(%run_scoped3A : memref<!tpu.dma_semaphore, #tpu.memory_space<semaphore_mem>>)
      %dma_wait3A_88 = arith.constant 0 : i32
      %dma_wait3A_89 = arith.constant 0 : i32
      %dma_wait3A_90 = tpu.memref_slice %arg2[%add3A_33, %dma_wait3A_88, %dma_wait3A_89] : memref<2500x2x128xi32, #tpu.memory_space<hbm>> -> memref<1x2x128xi32, #tpu.memory_space<hbm>>
      %dma_wait3A_91 = tpu.memref_squeeze %dma_wait3A_90 : memref<1x2x128xi32, #tpu.memory_space<hbm>> -> memref<2x128xi32, #tpu.memory_space<hbm>>
      %dma_wait3A_92 = arith.constant 0 : i32
      %dma_wait3A_93 = arith.constant 0 : i32
      %dma_wait3A_94 = tpu.memref_slice %arg2[%add3A_33, %dma_wait3A_92, %dma_wait3A_93] : memref<2500x2x128xi32, #tpu.memory_space<hbm>> -> memref<1x2x128xi32, #tpu.memory_space<hbm>>
      %dma_wait3A_95 = tpu.memref_squeeze %dma_wait3A_94 : memref<1x2x128xi32, #tpu.memory_space<hbm>> -> memref<2x128xi32, #tpu.memory_space<hbm>>
      tpu.wait_dma2 semaphore(%run_scoped3A : memref<!tpu.dma_semaphore, #tpu.memory_space<semaphore_mem>>) src(%dma_wait3A_95 : memref<2x128xi32, #tpu.memory_space<hbm>>) dst(%arg8 : memref<2x128xi32, #tpu.memory_space<vmem>>)
      tpu.yield
    }) : () -> ()
    %dma_start3A_34 = arith.constant 0 : i32
    %dma_start3A_35 = arith.constant 0 : i32
    %dma_start3A_36 = tpu.memref_slice %arg8[%dma_start3A_34, %dma_start3A_35] : memref<2x128xi32, #tpu.memory_space<vmem>> -> memref<1x128xi32, #tpu.memory_space<vmem>>
    %dma_start3A_37 = tpu.memref_squeeze %dma_start3A_36 : memref<1x128xi32, #tpu.memory_space<vmem>> -> memref<128xi32, #tpu.memory_space<vmem>>
    %dma_start3A_38 = arith.constant 0 : i32
    %dma_start3A_39 = arith.constant 0 : i32
    %dma_start3A_40 = tpu.memref_slice %arg3[%dma_start3A_38, %dma_start3A_39] : memref<40000x128xf32, #tpu.memory_space<hbm>> -> memref<40000x128xf32, #tpu.memory_space<hbm>>
    tpu.enqueue_indirect_dma source(%dma_start3A_40 : memref<40000x128xf32, #tpu.memory_space<hbm>>) target(%arg11 : memref<128x128xf32, #tpu.memory_space<vmem>>) offsets(%dma_start3A_37 : memref<128xi32, #tpu.memory_space<vmem>>) semaphore(%arg14 : memref<!tpu.dma_semaphore, #tpu.memory_space<semaphore_mem>>)
    %scan3A_41 = arith.constant 0 : i32
    %scan3A_42 = arith.constant 0 : i32
    %scan3A_43 = arith.constant 26 : i32
    %scan3A_44 = arith.addi %scan3A_42, %scan3A_43 : i32
    %scan3A_45 = arith.constant 1 : i32
    scf.for %scan3A_80 = %scan3A_42 to %scan3A_44 step %scan3A_45  : i32 {
      %dma_wait3A_81 = arith.constant 0 : i32
      %dma_wait3A_82 = arith.constant 0 : i32
      %dma_wait3A_83 = tpu.memref_slice %arg3[%dma_wait3A_81, %dma_wait3A_82] : memref<40000x128xf32, #tpu.memory_space<hbm>> -> memref<128x128xf32, #tpu.memory_space<hbm>>
      %dma_wait3A_84 = arith.constant 0 : i32
      %dma_wait3A_85 = arith.constant 0 : i32
      %dma_wait3A_86 = tpu.memref_slice %arg3[%dma_wait3A_84, %dma_wait3A_85] : memref<40000x128xf32, #tpu.memory_space<hbm>> -> memref<128x128xf32, #tpu.memory_space<hbm>>
      tpu.wait_dma2 semaphore(%arg12 : memref<!tpu.dma_semaphore, #tpu.memory_space<semaphore_mem>>) src(%dma_wait3A_86 : memref<128x128xf32, #tpu.memory_space<hbm>>) dst(%arg9 : memref<128x128xf32, #tpu.memory_space<vmem>>)
      %dma_start3A_87 = arith.constant 1 : i32
      %dma_start3A_88 = arith.constant 0 : i32
      %dma_start3A_89 = tpu.memref_slice %arg6[%dma_start3A_87, %dma_start3A_88] : memref<2x128xi32, #tpu.memory_space<vmem>> -> memref<1x128xi32, #tpu.memory_space<vmem>>
      %dma_start3A_90 = tpu.memref_squeeze %dma_start3A_89 : memref<1x128xi32, #tpu.memory_space<vmem>> -> memref<128xi32, #tpu.memory_space<vmem>>
      %dma_start3A_91 = arith.constant 0 : i32
      %dma_start3A_92 = arith.constant 0 : i32
      %dma_start3A_93 = tpu.memref_slice %arg5[%dma_start3A_91, %dma_start3A_92] : memref<10000x128xf32, #tpu.memory_space<vmem_shared>> -> memref<10000x128xf32, #tpu.memory_space<vmem_shared>>
      tpu.enqueue_indirect_dma source(%arg9 : memref<128x128xf32, #tpu.memory_space<vmem>>) target(%dma_start3A_93 : memref<10000x128xf32, #tpu.memory_space<vmem_shared>>) offsets(%dma_start3A_90 : memref<128xi32, #tpu.memory_space<vmem>>) semaphore(%arg15 : memref<!tpu.dma_semaphore, #tpu.memory_space<semaphore_mem>>) {add = true}
      %dma_wait3A_94 = arith.constant 0 : i32
      %dma_wait3A_95 = arith.constant 0 : i32
      %dma_wait3A_96 = tpu.memref_slice %arg3[%dma_wait3A_94, %dma_wait3A_95] : memref<40000x128xf32, #tpu.memory_space<hbm>> -> memref<128x128xf32, #tpu.memory_space<hbm>>
      %dma_wait3A_97 = arith.constant 0 : i32
      %dma_wait3A_98 = arith.constant 0 : i32
      %dma_wait3A_99 = tpu.memref_slice %arg3[%dma_wait3A_97, %dma_wait3A_98] : memref<40000x128xf32, #tpu.memory_space<hbm>> -> memref<128x128xf32, #tpu.memory_space<hbm>>
      tpu.wait_dma2 semaphore(%arg13 : memref<!tpu.dma_semaphore, #tpu.memory_space<semaphore_mem>>) src(%dma_wait3A_99 : memref<128x128xf32, #tpu.memory_space<hbm>>) dst(%arg10 : memref<128x128xf32, #tpu.memory_space<vmem>>)
      %dma_start3A_100 = arith.constant 1 : i32
      %dma_start3A_101 = arith.constant 0 : i32
      %dma_start3A_102 = tpu.memref_slice %arg7[%dma_start3A_100, %dma_start3A_101] : memref<2x128xi32, #tpu.memory_space<vmem>> -> memref<1x128xi32, #tpu.memory_space<vmem>>
      %dma_start3A_103 = tpu.memref_squeeze %dma_start3A_102 : memref<1x128xi32, #tpu.memory_space<vmem>> -> memref<128xi32, #tpu.memory_space<vmem>>
      %dma_start3A_104 = arith.constant 0 : i32
      %dma_start3A_105 = arith.constant 0 : i32
      %dma_start3A_106 = tpu.memref_slice %arg5[%dma_start3A_104, %dma_start3A_105] : memref<10000x128xf32, #tpu.memory_space<vmem_shared>> -> memref<10000x128xf32, #tpu.memory_space<vmem_shared>>
      tpu.enqueue_indirect_dma source(%arg10 : memref<128x128xf32, #tpu.memory_space<vmem>>) target(%dma_start3A_106 : memref<10000x128xf32, #tpu.memory_space<vmem_shared>>) offsets(%dma_start3A_103 : memref<128xi32, #tpu.memory_space<vmem>>) semaphore(%arg16 : memref<!tpu.dma_semaphore, #tpu.memory_space<semaphore_mem>>) {add = true}
      %dma_wait3A_107 = arith.constant 0 : i32
      %dma_wait3A_108 = arith.constant 0 : i32
      %dma_wait3A_109 = tpu.memref_slice %arg3[%dma_wait3A_107, %dma_wait3A_108] : memref<40000x128xf32, #tpu.memory_space<hbm>> -> memref<128x128xf32, #tpu.memory_space<hbm>>
      %dma_wait3A_110 = arith.constant 0 : i32
      %dma_wait3A_111 = arith.constant 0 : i32
      %dma_wait3A_112 = tpu.memref_slice %arg3[%dma_wait3A_110, %dma_wait3A_111] : memref<40000x128xf32, #tpu.memory_space<hbm>> -> memref<128x128xf32, #tpu.memory_space<hbm>>
      tpu.wait_dma2 semaphore(%arg14 : memref<!tpu.dma_semaphore, #tpu.memory_space<semaphore_mem>>) src(%dma_wait3A_112 : memref<128x128xf32, #tpu.memory_space<hbm>>) dst(%arg11 : memref<128x128xf32, #tpu.memory_space<vmem>>)
      %dma_start3A_113 = arith.constant 1 : i32
      %dma_start3A_114 = arith.constant 0 : i32
      %dma_start3A_115 = tpu.memref_slice %arg8[%dma_start3A_113, %dma_start3A_114] : memref<2x128xi32, #tpu.memory_space<vmem>> -> memref<1x128xi32, #tpu.memory_space<vmem>>
      %dma_start3A_116 = tpu.memref_squeeze %dma_start3A_115 : memref<1x128xi32, #tpu.memory_space<vmem>> -> memref<128xi32, #tpu.memory_space<vmem>>
      %dma_start3A_117 = arith.constant 0 : i32
      %dma_start3A_118 = arith.constant 0 : i32
      %dma_start3A_119 = tpu.memref_slice %arg5[%dma_start3A_117, %dma_start3A_118] : memref<10000x128xf32, #tpu.memory_space<vmem_shared>> -> memref<10000x128xf32, #tpu.memory_space<vmem_shared>>
      tpu.enqueue_indirect_dma source(%arg11 : memref<128x128xf32, #tpu.memory_space<vmem>>) target(%dma_start3A_119 : memref<10000x128xf32, #tpu.memory_space<vmem_shared>>) offsets(%dma_start3A_116 : memref<128xi32, #tpu.memory_space<vmem>>) semaphore(%arg17 : memref<!tpu.dma_semaphore, #tpu.memory_space<semaphore_mem>>) {add = true}
      %lt3A_120 = arith.constant 25 : i32
      %lt3A_121 = arith.cmpi slt, %scan3A_80, %lt3A_120 : i32
      %convert_element_type3A_122 = arith.extui %lt3A_121 : i1 to i32
      %cond3A_123 = arith.constant 0 : i32
      %cond3A_124 = arith.cmpi ne, %convert_element_type3A_122, %cond3A_123 : i32
      scf.if %cond3A_124 {
        %dma_wait3A_125 = arith.constant 0 : i32
        %dma_wait3A_126 = arith.constant 0 : i32
        %dma_wait3A_127 = tpu.memref_slice %arg3[%dma_wait3A_125, %dma_wait3A_126] : memref<40000x128xf32, #tpu.memory_space<hbm>> -> memref<128x128xf32, #tpu.memory_space<hbm>>
        %dma_wait3A_128 = arith.constant 0 : i32
        %dma_wait3A_129 = arith.constant 0 : i32
        %dma_wait3A_130 = tpu.memref_slice %arg3[%dma_wait3A_128, %dma_wait3A_129] : memref<40000x128xf32, #tpu.memory_space<hbm>> -> memref<128x128xf32, #tpu.memory_space<hbm>>
        tpu.wait_dma2 semaphore(%arg15 : memref<!tpu.dma_semaphore, #tpu.memory_space<semaphore_mem>>) src(%dma_wait3A_130 : memref<128x128xf32, #tpu.memory_space<hbm>>) dst(%arg9 : memref<128x128xf32, #tpu.memory_space<vmem>>)
        %mul3A_131 = arith.constant 3 : i32
        %mul3A_132 = arith.muli %mul3A_131, %scan3A_80 : i32
        %add3A_133 = arith.constant 3 : i32
        %add3A_134 = arith.addi %mul3A_132, %add3A_133 : i32
        %mul3A_135 = arith.constant 32 : i32
        %mul3A_136 = arith.muli %mul3A_135, %add3A_134 : i32
        %add3A_137 = arith.addi %add3A, %mul3A_136 : i32
        "tpu.region"() ({
          %run_scoped3A = tpu.sem_alloc : memref<!tpu.dma_semaphore, #tpu.memory_space<semaphore_mem>>
          %dma_start3A_185 = arith.constant 0 : i32
          %dma_start3A_186 = arith.constant 0 : i32
          %dma_start3A_187 = tpu.memref_slice %arg2[%add3A_137, %dma_start3A_185, %dma_start3A_186] : memref<2500x2x128xi32, #tpu.memory_space<hbm>> -> memref<1x2x128xi32, #tpu.memory_space<hbm>>
          %dma_start3A_188 = tpu.memref_squeeze %dma_start3A_187 : memref<1x2x128xi32, #tpu.memory_space<hbm>> -> memref<2x128xi32, #tpu.memory_space<hbm>>
          %dma_start3A_189 = arith.constant 0 : i32
          %dma_start3A_190 = arith.constant 0 : i32
          %dma_start3A_191 = tpu.memref_slice %arg2[%add3A_137, %dma_start3A_189, %dma_start3A_190] : memref<2500x2x128xi32, #tpu.memory_space<hbm>> -> memref<1x2x128xi32, #tpu.memory_space<hbm>>
          %dma_start3A_192 = tpu.memref_squeeze %dma_start3A_191 : memref<1x2x128xi32, #tpu.memory_space<hbm>> -> memref<2x128xi32, #tpu.memory_space<hbm>>
          tpu.enqueue_dma source(%dma_start3A_192 : memref<2x128xi32, #tpu.memory_space<hbm>>) target(%arg6 : memref<2x128xi32, #tpu.memory_space<vmem>>) target_semaphore(%run_scoped3A : memref<!tpu.dma_semaphore, #tpu.memory_space<semaphore_mem>>)
          %dma_wait3A_193 = arith.constant 0 : i32
          %dma_wait3A_194 = arith.constant 0 : i32
          %dma_wait3A_195 = tpu.memref_slice %arg2[%add3A_137, %dma_wait3A_193, %dma_wait3A_194] : memref<2500x2x128xi32, #tpu.memory_space<hbm>> -> memref<1x2x128xi32, #tpu.memory_space<hbm>>
          %dma_wait3A_196 = tpu.memref_squeeze %dma_wait3A_195 : memref<1x2x128xi32, #tpu.memory_space<hbm>> -> memref<2x128xi32, #tpu.memory_space<hbm>>
          %dma_wait3A_197 = arith.constant 0 : i32
          %dma_wait3A_198 = arith.constant 0 : i32
          %dma_wait3A_199 = tpu.memref_slice %arg2[%add3A_137, %dma_wait3A_197, %dma_wait3A_198] : memref<2500x2x128xi32, #tpu.memory_space<hbm>> -> memref<1x2x128xi32, #tpu.memory_space<hbm>>
          %dma_wait3A_200 = tpu.memref_squeeze %dma_wait3A_199 : memref<1x2x128xi32, #tpu.memory_space<hbm>> -> memref<2x128xi32, #tpu.memory_space<hbm>>
          tpu.wait_dma2 semaphore(%run_scoped3A : memref<!tpu.dma_semaphore, #tpu.memory_space<semaphore_mem>>) src(%dma_wait3A_200 : memref<2x128xi32, #tpu.memory_space<hbm>>) dst(%arg6 : memref<2x128xi32, #tpu.memory_space<vmem>>)
          tpu.yield
        }) : () -> ()
        %dma_start3A_138 = arith.constant 0 : i32
        %dma_start3A_139 = arith.constant 0 : i32
        %dma_start3A_140 = tpu.memref_slice %arg6[%dma_start3A_138, %dma_start3A_139] : memref<2x128xi32, #tpu.memory_space<vmem>> -> memref<1x128xi32, #tpu.memory_space<vmem>>
        %dma_start3A_141 = tpu.memref_squeeze %dma_start3A_140 : memref<1x128xi32, #tpu.memory_space<vmem>> -> memref<128xi32, #tpu.memory_space<vmem>>
        %dma_start3A_142 = arith.constant 0 : i32
        %dma_start3A_143 = arith.constant 0 : i32
        %dma_start3A_144 = tpu.memref_slice %arg3[%dma_start3A_142, %dma_start3A_143] : memref<40000x128xf32, #tpu.memory_space<hbm>> -> memref<40000x128xf32, #tpu.memory_space<hbm>>
        tpu.enqueue_indirect_dma source(%dma_start3A_144 : memref<40000x128xf32, #tpu.memory_space<hbm>>) target(%arg9 : memref<128x128xf32, #tpu.memory_space<vmem>>) offsets(%dma_start3A_141 : memref<128xi32, #tpu.memory_space<vmem>>) semaphore(%arg12 : memref<!tpu.dma_semaphore, #tpu.memory_space<semaphore_mem>>)
        %dma_wait3A_145 = arith.constant 0 : i32
        %dma_wait3A_146 = arith.constant 0 : i32
        %dma_wait3A_147 = tpu.memref_slice %arg3[%dma_wait3A_145, %dma_wait3A_146] : memref<40000x128xf32, #tpu.memory_space<hbm>> -> memref<128x128xf32, #tpu.memory_space<hbm>>
        %dma_wait3A_148 = arith.constant 0 : i32
        %dma_wait3A_149 = arith.constant 0 : i32
        %dma_wait3A_150 = tpu.memref_slice %arg3[%dma_wait3A_148, %dma_wait3A_149] : memref<40000x128xf32, #tpu.memory_space<hbm>> -> memref<128x128xf32, #tpu.memory_space<hbm>>
        tpu.wait_dma2 semaphore(%arg16 : memref<!tpu.dma_semaphore, #tpu.memory_space<semaphore_mem>>) src(%dma_wait3A_150 : memref<128x128xf32, #tpu.memory_space<hbm>>) dst(%arg10 : memref<128x128xf32, #tpu.memory_space<vmem>>)
        %mul3A_151 = arith.constant 3 : i32
        %mul3A_152 = arith.muli %mul3A_151, %scan3A_80 : i32
        %add3A_153 = arith.constant 4 : i32
        %add3A_154 = arith.addi %mul3A_152, %add3A_153 : i32
        %mul3A_155 = arith.constant 32 : i32
        %mul3A_156 = arith.muli %mul3A_155, %add3A_154 : i32
        %add3A_157 = arith.addi %add3A, %mul3A_156 : i32
        "tpu.region"() ({
          %run_scoped3A = tpu.sem_alloc : memref<!tpu.dma_semaphore, #tpu.memory_space<semaphore_mem>>
          %dma_start3A_185 = arith.constant 0 : i32
          %dma_start3A_186 = arith.constant 0 : i32
          %dma_start3A_187 = tpu.memref_slice %arg2[%add3A_157, %dma_start3A_185, %dma_start3A_186] : memref<2500x2x128xi32, #tpu.memory_space<hbm>> -> memref<1x2x128xi32, #tpu.memory_space<hbm>>
          %dma_start3A_188 = tpu.memref_squeeze %dma_start3A_187 : memref<1x2x128xi32, #tpu.memory_space<hbm>> -> memref<2x128xi32, #tpu.memory_space<hbm>>
          %dma_start3A_189 = arith.constant 0 : i32
          %dma_start3A_190 = arith.constant 0 : i32
          %dma_start3A_191 = tpu.memref_slice %arg2[%add3A_157, %dma_start3A_189, %dma_start3A_190] : memref<2500x2x128xi32, #tpu.memory_space<hbm>> -> memref<1x2x128xi32, #tpu.memory_space<hbm>>
          %dma_start3A_192 = tpu.memref_squeeze %dma_start3A_191 : memref<1x2x128xi32, #tpu.memory_space<hbm>> -> memref<2x128xi32, #tpu.memory_space<hbm>>
          tpu.enqueue_dma source(%dma_start3A_192 : memref<2x128xi32, #tpu.memory_space<hbm>>) target(%arg7 : memref<2x128xi32, #tpu.memory_space<vmem>>) target_semaphore(%run_scoped3A : memref<!tpu.dma_semaphore, #tpu.memory_space<semaphore_mem>>)
          %dma_wait3A_193 = arith.constant 0 : i32
          %dma_wait3A_194 = arith.constant 0 : i32
          %dma_wait3A_195 = tpu.memref_slice %arg2[%add3A_157, %dma_wait3A_193, %dma_wait3A_194] : memref<2500x2x128xi32, #tpu.memory_space<hbm>> -> memref<1x2x128xi32, #tpu.memory_space<hbm>>
          %dma_wait3A_196 = tpu.memref_squeeze %dma_wait3A_195 : memref<1x2x128xi32, #tpu.memory_space<hbm>> -> memref<2x128xi32, #tpu.memory_space<hbm>>
          %dma_wait3A_197 = arith.constant 0 : i32
          %dma_wait3A_198 = arith.constant 0 : i32
          %dma_wait3A_199 = tpu.memref_slice %arg2[%add3A_157, %dma_wait3A_197, %dma_wait3A_198] : memref<2500x2x128xi32, #tpu.memory_space<hbm>> -> memref<1x2x128xi32, #tpu.memory_space<hbm>>
          %dma_wait3A_200 = tpu.memref_squeeze %dma_wait3A_199 : memref<1x2x128xi32, #tpu.memory_space<hbm>> -> memref<2x128xi32, #tpu.memory_space<hbm>>
          tpu.wait_dma2 semaphore(%run_scoped3A : memref<!tpu.dma_semaphore, #tpu.memory_space<semaphore_mem>>) src(%dma_wait3A_200 : memref<2x128xi32, #tpu.memory_space<hbm>>) dst(%arg7 : memref<2x128xi32, #tpu.memory_space<vmem>>)
          tpu.yield
        }) : () -> ()
        %dma_start3A_158 = arith.constant 0 : i32
        %dma_start3A_159 = arith.constant 0 : i32
        %dma_start3A_160 = tpu.memref_slice %arg7[%dma_start3A_158, %dma_start3A_159] : memref<2x128xi32, #tpu.memory_space<vmem>> -> memref<1x128xi32, #tpu.memory_space<vmem>>
        %dma_start3A_161 = tpu.memref_squeeze %dma_start3A_160 : memref<1x128xi32, #tpu.memory_space<vmem>> -> memref<128xi32, #tpu.memory_space<vmem>>
        %dma_start3A_162 = arith.constant 0 : i32
        %dma_start3A_163 = arith.constant 0 : i32
        %dma_start3A_164 = tpu.memref_slice %arg3[%dma_start3A_162, %dma_start3A_163] : memref<40000x128xf32, #tpu.memory_space<hbm>> -> memref<40000x128xf32, #tpu.memory_space<hbm>>
        tpu.enqueue_indirect_dma source(%dma_start3A_164 : memref<40000x128xf32, #tpu.memory_space<hbm>>) target(%arg10 : memref<128x128xf32, #tpu.memory_space<vmem>>) offsets(%dma_start3A_161 : memref<128xi32, #tpu.memory_space<vmem>>) semaphore(%arg13 : memref<!tpu.dma_semaphore, #tpu.memory_space<semaphore_mem>>)
        %dma_wait3A_165 = arith.constant 0 : i32
        %dma_wait3A_166 = arith.constant 0 : i32
        %dma_wait3A_167 = tpu.memref_slice %arg3[%dma_wait3A_165, %dma_wait3A_166] : memref<40000x128xf32, #tpu.memory_space<hbm>> -> memref<128x128xf32, #tpu.memory_space<hbm>>
        %dma_wait3A_168 = arith.constant 0 : i32
        %dma_wait3A_169 = arith.constant 0 : i32
        %dma_wait3A_170 = tpu.memref_slice %arg3[%dma_wait3A_168, %dma_wait3A_169] : memref<40000x128xf32, #tpu.memory_space<hbm>> -> memref<128x128xf32, #tpu.memory_space<hbm>>
        tpu.wait_dma2 semaphore(%arg17 : memref<!tpu.dma_semaphore, #tpu.memory_space<semaphore_mem>>) src(%dma_wait3A_170 : memref<128x128xf32, #tpu.memory_space<hbm>>) dst(%arg11 : memref<128x128xf32, #tpu.memory_space<vmem>>)
        %mul3A_171 = arith.constant 3 : i32
        %mul3A_172 = arith.muli %mul3A_171, %scan3A_80 : i32
        %add3A_173 = arith.constant 5 : i32
        %add3A_174 = arith.addi %mul3A_172, %add3A_173 : i32
        %mul3A_175 = arith.constant 32 : i32
        %mul3A_176 = arith.muli %mul3A_175, %add3A_174 : i32
        %add3A_177 = arith.addi %add3A, %mul3A_176 : i32
        "tpu.region"() ({
          %run_scoped3A = tpu.sem_alloc : memref<!tpu.dma_semaphore, #tpu.memory_space<semaphore_mem>>
          %dma_start3A_185 = arith.constant 0 : i32
          %dma_start3A_186 = arith.constant 0 : i32
          %dma_start3A_187 = tpu.memref_slice %arg2[%add3A_177, %dma_start3A_185, %dma_start3A_186] : memref<2500x2x128xi32, #tpu.memory_space<hbm>> -> memref<1x2x128xi32, #tpu.memory_space<hbm>>
          %dma_start3A_188 = tpu.memref_squeeze %dma_start3A_187 : memref<1x2x128xi32, #tpu.memory_space<hbm>> -> memref<2x128xi32, #tpu.memory_space<hbm>>
          %dma_start3A_189 = arith.constant 0 : i32
          %dma_start3A_190 = arith.constant 0 : i32
          %dma_start3A_191 = tpu.memref_slice %arg2[%add3A_177, %dma_start3A_189, %dma_start3A_190] : memref<2500x2x128xi32, #tpu.memory_space<hbm>> -> memref<1x2x128xi32, #tpu.memory_space<hbm>>
          %dma_start3A_192 = tpu.memref_squeeze %dma_start3A_191 : memref<1x2x128xi32, #tpu.memory_space<hbm>> -> memref<2x128xi32, #tpu.memory_space<hbm>>
          tpu.enqueue_dma source(%dma_start3A_192 : memref<2x128xi32, #tpu.memory_space<hbm>>) target(%arg8 : memref<2x128xi32, #tpu.memory_space<vmem>>) target_semaphore(%run_scoped3A : memref<!tpu.dma_semaphore, #tpu.memory_space<semaphore_mem>>)
          %dma_wait3A_193 = arith.constant 0 : i32
          %dma_wait3A_194 = arith.constant 0 : i32
          %dma_wait3A_195 = tpu.memref_slice %arg2[%add3A_177, %dma_wait3A_193, %dma_wait3A_194] : memref<2500x2x128xi32, #tpu.memory_space<hbm>> -> memref<1x2x128xi32, #tpu.memory_space<hbm>>
          %dma_wait3A_196 = tpu.memref_squeeze %dma_wait3A_195 : memref<1x2x128xi32, #tpu.memory_space<hbm>> -> memref<2x128xi32, #tpu.memory_space<hbm>>
          %dma_wait3A_197 = arith.constant 0 : i32
          %dma_wait3A_198 = arith.constant 0 : i32
          %dma_wait3A_199 = tpu.memref_slice %arg2[%add3A_177, %dma_wait3A_197, %dma_wait3A_198] : memref<2500x2x128xi32, #tpu.memory_space<hbm>> -> memref<1x2x128xi32, #tpu.memory_space<hbm>>
          %dma_wait3A_200 = tpu.memref_squeeze %dma_wait3A_199 : memref<1x2x128xi32, #tpu.memory_space<hbm>> -> memref<2x128xi32, #tpu.memory_space<hbm>>
          tpu.wait_dma2 semaphore(%run_scoped3A : memref<!tpu.dma_semaphore, #tpu.memory_space<semaphore_mem>>) src(%dma_wait3A_200 : memref<2x128xi32, #tpu.memory_space<hbm>>) dst(%arg8 : memref<2x128xi32, #tpu.memory_space<vmem>>)
          tpu.yield
        }) : () -> ()
        %dma_start3A_178 = arith.constant 0 : i32
        %dma_start3A_179 = arith.constant 0 : i32
        %dma_start3A_180 = tpu.memref_slice %arg8[%dma_start3A_178, %dma_start3A_179] : memref<2x128xi32, #tpu.memory_space<vmem>> -> memref<1x128xi32, #tpu.memory_space<vmem>>
        %dma_start3A_181 = tpu.memref_squeeze %dma_start3A_180 : memref<1x128xi32, #tpu.memory_space<vmem>> -> memref<128xi32, #tpu.memory_space<vmem>>
        %dma_start3A_182 = arith.constant 0 : i32
        %dma_start3A_183 = arith.constant 0 : i32
        %dma_start3A_184 = tpu.memref_slice %arg3[%dma_start3A_182, %dma_start3A_183] : memref<40000x128xf32, #tpu.memory_space<hbm>> -> memref<40000x128xf32, #tpu.memory_space<hbm>>
        tpu.enqueue_indirect_dma source(%dma_start3A_184 : memref<40000x128xf32, #tpu.memory_space<hbm>>) target(%arg11 : memref<128x128xf32, #tpu.memory_space<vmem>>) offsets(%dma_start3A_181 : memref<128xi32, #tpu.memory_space<vmem>>) semaphore(%arg14 : memref<!tpu.dma_semaphore, #tpu.memory_space<semaphore_mem>>)
      } else {
      }
    }
    %scan3A_46 = arith.constant 26 : i32
    %dma_wait3A = arith.constant 0 : i32
    %dma_wait3A_47 = arith.constant 0 : i32
    %dma_wait3A_48 = tpu.memref_slice %arg3[%dma_wait3A, %dma_wait3A_47] : memref<40000x128xf32, #tpu.memory_space<hbm>> -> memref<128x128xf32, #tpu.memory_space<hbm>>
    %dma_wait3A_49 = arith.constant 0 : i32
    %dma_wait3A_50 = arith.constant 0 : i32
    %dma_wait3A_51 = tpu.memref_slice %arg3[%dma_wait3A_49, %dma_wait3A_50] : memref<40000x128xf32, #tpu.memory_space<hbm>> -> memref<128x128xf32, #tpu.memory_space<hbm>>
    tpu.wait_dma2 semaphore(%arg15 : memref<!tpu.dma_semaphore, #tpu.memory_space<semaphore_mem>>) src(%dma_wait3A_51 : memref<128x128xf32, #tpu.memory_space<hbm>>) dst(%arg9 : memref<128x128xf32, #tpu.memory_space<vmem>>)
    %dma_wait3A_52 = arith.constant 0 : i32
    %dma_wait3A_53 = arith.constant 0 : i32
    %dma_wait3A_54 = tpu.memref_slice %arg3[%dma_wait3A_52, %dma_wait3A_53] : memref<40000x128xf32, #tpu.memory_space<hbm>> -> memref<128x128xf32, #tpu.memory_space<hbm>>
    %dma_wait3A_55 = arith.constant 0 : i32
    %dma_wait3A_56 = arith.constant 0 : i32
    %dma_wait3A_57 = tpu.memref_slice %arg3[%dma_wait3A_55, %dma_wait3A_56] : memref<40000x128xf32, #tpu.memory_space<hbm>> -> memref<128x128xf32, #tpu.memory_space<hbm>>
    tpu.wait_dma2 semaphore(%arg16 : memref<!tpu.dma_semaphore, #tpu.memory_space<semaphore_mem>>) src(%dma_wait3A_57 : memref<128x128xf32, #tpu.memory_space<hbm>>) dst(%arg10 : memref<128x128xf32, #tpu.memory_space<vmem>>)
    %dma_wait3A_58 = arith.constant 0 : i32
    %dma_wait3A_59 = arith.constant 0 : i32
    %dma_wait3A_60 = tpu.memref_slice %arg3[%dma_wait3A_58, %dma_wait3A_59] : memref<40000x128xf32, #tpu.memory_space<hbm>> -> memref<128x128xf32, #tpu.memory_space<hbm>>
    %dma_wait3A_61 = arith.constant 0 : i32
    %dma_wait3A_62 = arith.constant 0 : i32
    %dma_wait3A_63 = tpu.memref_slice %arg3[%dma_wait3A_61, %dma_wait3A_62] : memref<40000x128xf32, #tpu.memory_space<hbm>> -> memref<128x128xf32, #tpu.memory_space<hbm>>
    tpu.wait_dma2 semaphore(%arg17 : memref<!tpu.dma_semaphore, #tpu.memory_space<semaphore_mem>>) src(%dma_wait3A_63 : memref<128x128xf32, #tpu.memory_space<hbm>>) dst(%arg11 : memref<128x128xf32, #tpu.memory_space<vmem>>)
    %lt3A_64 = arith.constant 4 : i32
    %lt3A_65 = arith.cmpi slt, %add3A, %lt3A_64 : i32
    %convert_element_type3A_66 = arith.extui %lt3A_65 : i1 to i32
    %cond3A_67 = arith.constant 0 : i32
    %cond3A_68 = arith.cmpi ne, %convert_element_type3A_66, %cond3A_67 : i32
    scf.if %cond3A_68 {
      %add3A_80 = arith.constant 2496 : i32
      %add3A_81 = arith.addi %add3A, %add3A_80 : i32
      "tpu.region"() ({
        %run_scoped3A_95 = tpu.sem_alloc : memref<!tpu.dma_semaphore, #tpu.memory_space<semaphore_mem>>
        %dma_start3A_96 = arith.constant 0 : i32
        %dma_start3A_97 = arith.constant 0 : i32
        %dma_start3A_98 = tpu.memref_slice %arg2[%add3A_81, %dma_start3A_96, %dma_start3A_97] : memref<2500x2x128xi32, #tpu.memory_space<hbm>> -> memref<1x2x128xi32, #tpu.memory_space<hbm>>
        %dma_start3A_99 = tpu.memref_squeeze %dma_start3A_98 : memref<1x2x128xi32, #tpu.memory_space<hbm>> -> memref<2x128xi32, #tpu.memory_space<hbm>>
        %dma_start3A_100 = arith.constant 0 : i32
        %dma_start3A_101 = arith.constant 0 : i32
        %dma_start3A_102 = tpu.memref_slice %arg2[%add3A_81, %dma_start3A_100, %dma_start3A_101] : memref<2500x2x128xi32, #tpu.memory_space<hbm>> -> memref<1x2x128xi32, #tpu.memory_space<hbm>>
        %dma_start3A_103 = tpu.memref_squeeze %dma_start3A_102 : memref<1x2x128xi32, #tpu.memory_space<hbm>> -> memref<2x128xi32, #tpu.memory_space<hbm>>
        tpu.enqueue_dma source(%dma_start3A_103 : memref<2x128xi32, #tpu.memory_space<hbm>>) target(%arg6 : memref<2x128xi32, #tpu.memory_space<vmem>>) target_semaphore(%run_scoped3A_95 : memref<!tpu.dma_semaphore, #tpu.memory_space<semaphore_mem>>)
        %dma_wait3A_104 = arith.constant 0 : i32
        %dma_wait3A_105 = arith.constant 0 : i32
        %dma_wait3A_106 = tpu.memref_slice %arg2[%add3A_81, %dma_wait3A_104, %dma_wait3A_105] : memref<2500x2x128xi32, #tpu.memory_space<hbm>> -> memref<1x2x128xi32, #tpu.memory_space<hbm>>
        %dma_wait3A_107 = tpu.memref_squeeze %dma_wait3A_106 : memref<1x2x128xi32, #tpu.memory_space<hbm>> -> memref<2x128xi32, #tpu.memory_space<hbm>>
        %dma_wait3A_108 = arith.constant 0 : i32
        %dma_wait3A_109 = arith.constant 0 : i32
        %dma_wait3A_110 = tpu.memref_slice %arg2[%add3A_81, %dma_wait3A_108, %dma_wait3A_109] : memref<2500x2x128xi32, #tpu.memory_space<hbm>> -> memref<1x2x128xi32, #tpu.memory_space<hbm>>
        %dma_wait3A_111 = tpu.memref_squeeze %dma_wait3A_110 : memref<1x2x128xi32, #tpu.memory_space<hbm>> -> memref<2x128xi32, #tpu.memory_space<hbm>>
        tpu.wait_dma2 semaphore(%run_scoped3A_95 : memref<!tpu.dma_semaphore, #tpu.memory_space<semaphore_mem>>) src(%dma_wait3A_111 : memref<2x128xi32, #tpu.memory_space<hbm>>) dst(%arg6 : memref<2x128xi32, #tpu.memory_space<vmem>>)
        tpu.yield
      }) : () -> ()
      %dma_start3A_82 = arith.constant 0 : i32
      %dma_start3A_83 = arith.constant 0 : i32
      %dma_start3A_84 = tpu.memref_slice %arg6[%dma_start3A_82, %dma_start3A_83] : memref<2x128xi32, #tpu.memory_space<vmem>> -> memref<1x128xi32, #tpu.memory_space<vmem>>
      %dma_start3A_85 = tpu.memref_squeeze %dma_start3A_84 : memref<1x128xi32, #tpu.memory_space<vmem>> -> memref<128xi32, #tpu.memory_space<vmem>>
      %dma_start3A_86 = arith.constant 0 : i32
      %dma_start3A_87 = arith.constant 0 : i32
      %dma_start3A_88 = tpu.memref_slice %arg3[%dma_start3A_86, %dma_start3A_87] : memref<40000x128xf32, #tpu.memory_space<hbm>> -> memref<40000x128xf32, #tpu.memory_space<hbm>>
      tpu.enqueue_indirect_dma source(%dma_start3A_88 : memref<40000x128xf32, #tpu.memory_space<hbm>>) target(%arg9 : memref<128x128xf32, #tpu.memory_space<vmem>>) offsets(%dma_start3A_85 : memref<128xi32, #tpu.memory_space<vmem>>) semaphore(%arg12 : memref<!tpu.dma_semaphore, #tpu.memory_space<semaphore_mem>>)
      %dma_wait3A_89 = arith.constant 0 : i32
      %dma_wait3A_90 = arith.constant 0 : i32
      %dma_wait3A_91 = tpu.memref_slice %arg3[%dma_wait3A_89, %dma_wait3A_90] : memref<40000x128xf32, #tpu.memory_space<hbm>> -> memref<128x128xf32, #tpu.memory_space<hbm>>
      %dma_wait3A_92 = arith.constant 0 : i32
      %dma_wait3A_93 = arith.constant 0 : i32
      %dma_wait3A_94 = tpu.memref_slice %arg3[%dma_wait3A_92, %dma_wait3A_93] : memref<40000x128xf32, #tpu.memory_space<hbm>> -> memref<128x128xf32, #tpu.memory_space<hbm>>
      tpu.wait_dma2 semaphore(%arg12 : memref<!tpu.dma_semaphore, #tpu.memory_space<semaphore_mem>>) src(%dma_wait3A_94 : memref<128x128xf32, #tpu.memory_space<hbm>>) dst(%arg9 : memref<128x128xf32, #tpu.memory_space<vmem>>)
      %run_scoped3A = arith.constant 1 : i32
      "tpu.region"() ({
        %run_scoped3A_95 = tpu.sem_alloc : memref<!tpu.dma_semaphore, #tpu.memory_space<semaphore_mem>>
        %dma_start3A_96 = arith.constant 0 : i32
        %dma_start3A_97 = tpu.memref_slice %arg6[%run_scoped3A, %dma_start3A_96] : memref<2x128xi32, #tpu.memory_space<vmem>> -> memref<1x128xi32, #tpu.memory_space<vmem>>
        %dma_start3A_98 = tpu.memref_squeeze %dma_start3A_97 : memref<1x128xi32, #tpu.memory_space<vmem>> -> memref<128xi32, #tpu.memory_space<vmem>>
        %dma_start3A_99 = arith.constant 0 : i32
        %dma_start3A_100 = arith.constant 0 : i32
        %dma_start3A_101 = tpu.memref_slice %arg5[%dma_start3A_99, %dma_start3A_100] : memref<10000x128xf32, #tpu.memory_space<vmem_shared>> -> memref<10000x128xf32, #tpu.memory_space<vmem_shared>>
        tpu.enqueue_indirect_dma source(%arg9 : memref<128x128xf32, #tpu.memory_space<vmem>>) target(%dma_start3A_101 : memref<10000x128xf32, #tpu.memory_space<vmem_shared>>) offsets(%dma_start3A_98 : memref<128xi32, #tpu.memory_space<vmem>>) semaphore(%run_scoped3A_95 : memref<!tpu.dma_semaphore, #tpu.memory_space<semaphore_mem>>) {add = true}
        %dma_wait3A_102 = arith.constant 0 : i32
        %dma_wait3A_103 = tpu.memref_slice %arg6[%run_scoped3A, %dma_wait3A_102] : memref<2x128xi32, #tpu.memory_space<vmem>> -> memref<1x128xi32, #tpu.memory_space<vmem>>
        %dma_wait3A_104 = tpu.memref_squeeze %dma_wait3A_103 : memref<1x128xi32, #tpu.memory_space<vmem>> -> memref<128xi32, #tpu.memory_space<vmem>>
        %dma_wait3A_105 = arith.constant 0 : i32
        %dma_wait3A_106 = arith.constant 0 : i32
        %dma_wait3A_107 = tpu.memref_slice %arg5[%dma_wait3A_105, %dma_wait3A_106] : memref<10000x128xf32, #tpu.memory_space<vmem_shared>> -> memref<10000x128xf32, #tpu.memory_space<vmem_shared>>
        tpu.wait_indirect_dma semaphore(%run_scoped3A_95 : memref<!tpu.dma_semaphore, #tpu.memory_space<semaphore_mem>>) src(%arg9 : memref<128x128xf32, #tpu.memory_space<vmem>>) dst(%dma_wait3A_107 : memref<10000x128xf32, #tpu.memory_space<vmem_shared>>)
        tpu.yield
      }) : () -> ()
    } else {
    }
    %barrier3A_69 = arith.constant 0 : index
    tpu.barrier barrier_id(%barrier3A_69)
    %lt3A_70 = arith.constant 15 : i32
    %lt3A_71 = arith.cmpi slt, %arg1, %lt3A_70 : i32
    %convert_element_type3A_72 = arith.extui %lt3A_71 : i1 to i32
    %cond3A_73 = arith.constant 0 : i32
    %cond3A_74 = arith.cmpi ne, %convert_element_type3A_72, %cond3A_73 : i32
    scf.if %cond3A_74 {
      "tpu.region"() ({
        %run_scoped3A = tpu.sem_alloc : memref<!tpu.dma_semaphore, #tpu.memory_space<semaphore_mem>>
        %dma_start3A_80 = arith.constant 0 : i32
        %dma_start3A_81 = tpu.memref_slice %arg4[%arg0, %multiple_of3A, %dma_start3A_80] : memref<2x10000x128xf32, #tpu.memory_space<hbm>> -> memref<1x640x128xf32, #tpu.memory_space<hbm>>
        %dma_start3A_82 = tpu.memref_squeeze %dma_start3A_81 : memref<1x640x128xf32, #tpu.memory_space<hbm>> -> memref<640x128xf32, #tpu.memory_space<hbm>>
        %dma_start3A_83 = arith.constant 0 : i32
        %dma_start3A_84 = tpu.memref_slice %arg5[%multiple_of3A, %dma_start3A_83] : memref<10000x128xf32, #tpu.memory_space<vmem_shared>> -> memref<640x128xf32, #tpu.memory_space<vmem_shared>>
        tpu.enqueue_dma source(%dma_start3A_84 : memref<640x128xf32, #tpu.memory_space<vmem_shared>>) target(%dma_start3A_82 : memref<640x128xf32, #tpu.memory_space<hbm>>) target_semaphore(%run_scoped3A : memref<!tpu.dma_semaphore, #tpu.memory_space<semaphore_mem>>)
        %dma_wait3A_85 = arith.constant 0 : i32
        %dma_wait3A_86 = tpu.memref_slice %arg4[%arg0, %multiple_of3A, %dma_wait3A_85] : memref<2x10000x128xf32, #tpu.memory_space<hbm>> -> memref<1x640x128xf32, #tpu.memory_space<hbm>>
        %dma_wait3A_87 = tpu.memref_squeeze %dma_wait3A_86 : memref<1x640x128xf32, #tpu.memory_space<hbm>> -> memref<640x128xf32, #tpu.memory_space<hbm>>
        %dma_wait3A_88 = arith.constant 0 : i32
        %dma_wait3A_89 = tpu.memref_slice %arg5[%multiple_of3A, %dma_wait3A_88] : memref<10000x128xf32, #tpu.memory_space<vmem_shared>> -> memref<640x128xf32, #tpu.memory_space<vmem_shared>>
        tpu.wait_dma2 semaphore(%run_scoped3A : memref<!tpu.dma_semaphore, #tpu.memory_space<semaphore_mem>>) src(%dma_wait3A_89 : memref<640x128xf32, #tpu.memory_space<vmem_shared>>) dst(%dma_wait3A_87 : memref<640x128xf32, #tpu.memory_space<hbm>>)
        tpu.yield
      }) : () -> ()
    } else {
    }
    %eq3A_75 = arith.constant 15 : i32
    %eq3A_76 = arith.cmpi eq, %arg1, %eq3A_75 : i32
    %convert_element_type3A_77 = arith.extui %eq3A_76 : i1 to i32
    %cond3A_78 = arith.constant 0 : i32
    %cond3A_79 = arith.cmpi ne, %convert_element_type3A_77, %cond3A_78 : i32
    scf.if %cond3A_79 {
      "tpu.region"() ({
        %run_scoped3A = tpu.sem_alloc : memref<!tpu.dma_semaphore, #tpu.memory_space<semaphore_mem>>
        %dma_start3A_80 = arith.constant 9600 : i32
        %dma_start3A_81 = arith.constant 0 : i32
        %dma_start3A_82 = tpu.memref_slice %arg4[%arg0, %dma_start3A_80, %dma_start3A_81] : memref<2x10000x128xf32, #tpu.memory_space<hbm>> -> memref<1x400x128xf32, #tpu.memory_space<hbm>>
        %dma_start3A_83 = tpu.memref_squeeze %dma_start3A_82 : memref<1x400x128xf32, #tpu.memory_space<hbm>> -> memref<400x128xf32, #tpu.memory_space<hbm>>
        %dma_start3A_84 = arith.constant 9600 : i32
        %dma_start3A_85 = arith.constant 0 : i32
        %dma_start3A_86 = tpu.memref_slice %arg5[%dma_start3A_84, %dma_start3A_85] : memref<10000x128xf32, #tpu.memory_space<vmem_shared>> -> memref<400x128xf32, #tpu.memory_space<vmem_shared>>
        tpu.enqueue_dma source(%dma_start3A_86 : memref<400x128xf32, #tpu.memory_space<vmem_shared>>) target(%dma_start3A_83 : memref<400x128xf32, #tpu.memory_space<hbm>>) target_semaphore(%run_scoped3A : memref<!tpu.dma_semaphore, #tpu.memory_space<semaphore_mem>>)
        %dma_wait3A_87 = arith.constant 9600 : i32
        %dma_wait3A_88 = arith.constant 0 : i32
        %dma_wait3A_89 = tpu.memref_slice %arg4[%arg0, %dma_wait3A_87, %dma_wait3A_88] : memref<2x10000x128xf32, #tpu.memory_space<hbm>> -> memref<1x400x128xf32, #tpu.memory_space<hbm>>
        %dma_wait3A_90 = tpu.memref_squeeze %dma_wait3A_89 : memref<1x400x128xf32, #tpu.memory_space<hbm>> -> memref<400x128xf32, #tpu.memory_space<hbm>>
        %dma_wait3A_91 = arith.constant 9600 : i32
        %dma_wait3A_92 = arith.constant 0 : i32
        %dma_wait3A_93 = tpu.memref_slice %arg5[%dma_wait3A_91, %dma_wait3A_92] : memref<10000x128xf32, #tpu.memory_space<vmem_shared>> -> memref<400x128xf32, #tpu.memory_space<vmem_shared>>
        tpu.wait_dma2 semaphore(%run_scoped3A : memref<!tpu.dma_semaphore, #tpu.memory_space<semaphore_mem>>) src(%dma_wait3A_93 : memref<400x128xf32, #tpu.memory_space<vmem_shared>>) dst(%dma_wait3A_90 : memref<400x128xf32, #tpu.memory_space<hbm>>)
        tpu.yield
      }) : () -> ()
    } else {
    }
    return
  }
}

module attributes {stable_mosaic.version = 14 : i64} {
  func.func @_k2_body(%arg0: i32, %arg1: memref<2000x128xf32, #tpu.memory_space<vmem>>, %arg2: memref<128x128xf32, #tpu.memory_space<vmem>>, %arg3: memref<1x128xf32, #tpu.memory_space<vmem>>, %arg4: memref<1x128xf32, #tpu.memory_space<vmem>>, %arg5: memref<4x128xf32, #tpu.memory_space<vmem>>, %arg6: memref<2000x8xf32, #tpu.memory_space<vmem>>, %arg7: memref<4x2000x128xf32, #tpu.memory_space<vmem>>, %arg8: memref<2000x1xf32, #tpu.memory_space<vmem>>, %arg9: memref<2000x128xf32, #tpu.memory_space<vmem>>) attributes {dimension_semantics = [#tpu.dimension_semantics<arbitrary>], iteration_bounds = array<i64: 5>, scalar_prefetch = 0 : i64, scratch_operands = 0 : i64, tpu.core_type = #tpu.core_type<tc>, window_params = [{transform_indices = @transform_0, window_bounds = array<i64: 2000, 128>}, {pipeline_mode = #tpu.pipeline_mode<synchronous>, transform_indices = @transform_1, window_bounds = array<i64: 128, 128>}, {pipeline_mode = #tpu.pipeline_mode<synchronous>, transform_indices = @transform_2, window_bounds = array<i64: 1, 128>}, {pipeline_mode = #tpu.pipeline_mode<synchronous>, transform_indices = @transform_3, window_bounds = array<i64: 1, 128>}, {pipeline_mode = #tpu.pipeline_mode<synchronous>, transform_indices = @transform_4, window_bounds = array<i64: 4, 128>}, {transform_indices = @transform_5, window_bounds = array<i64: 2000, 8>}, {transform_indices = @transform_6, window_bounds = array<i64: 4, 2000, 128>}, {transform_indices = @transform_7, window_bounds = array<i64: 2000, 1>}, {transform_indices = @transform_8, window_bounds = array<i64: 2000, 128>}]} {
    %get3A = arith.constant 0 : index
    %get3A_0 = arith.constant 0 : index
    %get3A_1 = vector.load %arg1[%get3A, %get3A_0] : memref<2000x128xf32, #tpu.memory_space<vmem>>, vector<2000x128xf32>
    %get3A_2 = arith.constant 0 : index
    %get3A_3 = arith.constant 0 : index
    %get3A_4 = vector.load %arg2[%get3A_2, %get3A_3] : memref<128x128xf32, #tpu.memory_space<vmem>>, vector<128x128xf32>
    %dot_general3A = arith.constant dense<0.000000e+00> : vector<2000x128xf32>
    %dot_general3A_5 = tpu.matmul %get3A_1, %get3A_4, %dot_general3A {dimension_numbers = #tpu.dot_dimension_numbers<[1], [1], [0], [0], [0, 0, 1, 0], [], []>, transpose_lhs_hint = false} : vector<2000x128xf32>, vector<128x128xf32>, vector<2000x128xf32> -> vector<2000x128xf32>
    %get3A_6 = arith.constant 0 : index
    %get3A_7 = arith.constant 0 : index
    %get3A_8 = vector.load %arg3[%get3A_6, %get3A_7] : memref<1x128xf32, #tpu.memory_space<vmem>>, vector<1x128xf32>
    %add3A = vector.broadcast %get3A_8 : vector<1x128xf32> to vector<2000x128xf32>
    %add3A_9 = arith.addf %dot_general3A_5, %add3A : vector<2000x128xf32>
    %get3A_10 = arith.constant 0 : index
    %get3A_11 = arith.constant 0 : index
    %get3A_12 = vector.load %arg6[%get3A_10, %get3A_11] : memref<2000x8xf32, #tpu.memory_space<vmem>>, vector<2000x8xf32>
    %reduce_sum3A = arith.constant dense<0.000000e+00> : vector<2000xf32>
    %reduce_sum3A_13 = vector.multi_reduction <add>, %get3A_12, %reduce_sum3A [1] : vector<2000x8xf32> to vector<2000xf32>
    %add3A_14 = arith.constant 1.000000e+00 : f32
    %add3A_15 = vector.broadcast %add3A_14 : f32 to vector<2000xf32>
    %add3A_16 = arith.addf %reduce_sum3A_13, %add3A_15 : vector<2000xf32>
    %rsqrt3A = math.rsqrt %add3A_16 : vector<2000xf32>
    %broadcast_in_dim3A = vector.shape_cast %add3A_9 : vector<2000x128xf32> to vector<1x2000x128xf32>
    %get3A_17 = arith.constant 0 : index
    %get3A_18 = arith.constant 0 : index
    %get3A_19 = vector.load %arg5[%get3A_17, %get3A_18] : memref<4x128xf32, #tpu.memory_space<vmem>>, vector<4x128xf32>
    %broadcast_in_dim3A_20 = vector.shape_cast %get3A_19 : vector<4x128xf32> to vector<4x1x128xf32>
    %add3A_21 = vector.broadcast %broadcast_in_dim3A : vector<1x2000x128xf32> to vector<4x2000x128xf32>
    %add3A_22 = vector.broadcast %broadcast_in_dim3A_20 : vector<4x1x128xf32> to vector<4x2000x128xf32>
    %add3A_23 = arith.addf %add3A_21, %add3A_22 : vector<4x2000x128xf32>
    %max3A = arith.constant 0.000000e+00 : f32
    %max3A_24 = vector.broadcast %max3A : f32 to vector<4x2000x128xf32>
    %max3A_25 = arith.maximumf %add3A_23, %max3A_24 : vector<4x2000x128xf32>
    %broadcast_in_dim3A_26 = vector.shape_cast %rsqrt3A : vector<2000xf32> to vector<1x2000x1xf32>
    %mul3A = vector.broadcast %broadcast_in_dim3A_26 : vector<1x2000x1xf32> to vector<4x2000x128xf32>
    %mul3A_27 = arith.mulf %max3A_25, %mul3A : vector<4x2000x128xf32>
    %swap3A = arith.constant 0 : index
    %swap3A_28 = arith.constant 0 : index
    %swap3A_29 = arith.constant 0 : index
    %swap3A_30 = vector.load %arg7[%swap3A, %swap3A_28, %swap3A_29] : memref<4x2000x128xf32, #tpu.memory_space<vmem>>, vector<4x2000x128xf32>
    tpu.vector_store %arg7[%swap3A, %swap3A_28, %swap3A_29], %mul3A_27 {strides = array<i32>} : memref<4x2000x128xf32, #tpu.memory_space<vmem>>, vector<4x2000x128xf32>,
    %broadcast_in_dim3A_31 = vector.shape_cast %rsqrt3A : vector<2000xf32> to vector<2000x1xf32>
    %swap3A_32 = arith.constant 0 : index
    %swap3A_33 = arith.constant 0 : index
    %swap3A_34 = vector.load %arg8[%swap3A_32, %swap3A_33] : memref<2000x1xf32, #tpu.memory_space<vmem>>, vector<2000x1xf32>
    tpu.vector_store %arg8[%swap3A_32, %swap3A_33], %broadcast_in_dim3A_31 {strides = array<i32>} : memref<2000x1xf32, #tpu.memory_space<vmem>>, vector<2000x1xf32>,
    %get3A_35 = arith.constant 0 : index
    %get3A_36 = arith.constant 0 : index
    %get3A_37 = vector.load %arg4[%get3A_35, %get3A_36] : memref<1x128xf32, #tpu.memory_space<vmem>>, vector<1x128xf32>
    %add3A_38 = vector.broadcast %get3A_37 : vector<1x128xf32> to vector<2000x128xf32>
    %add3A_39 = arith.addf %add3A_9, %add3A_38 : vector<2000x128xf32>
    %max3A_40 = arith.constant 0.000000e+00 : f32
    %max3A_41 = vector.broadcast %max3A_40 : f32 to vector<2000x128xf32>
    %max3A_42 = arith.maximumf %add3A_39, %max3A_41 : vector<2000x128xf32>
    %broadcast_in_dim3A_43 = vector.shape_cast %add3A_16 : vector<2000xf32> to vector<2000x1xf32>
    %div3A = vector.broadcast %broadcast_in_dim3A_43 : vector<2000x1xf32> to vector<2000x128xf32>
    %div3A_44 = arith.divf %max3A_42, %div3A : vector<2000x128xf32>
    %swap3A_45 = arith.constant 0 : index
    %swap3A_46 = arith.constant 0 : index
    %swap3A_47 = vector.load %arg9[%swap3A_45, %swap3A_46] : memref<2000x128xf32, #tpu.memory_space<vmem>>, vector<2000x128xf32>
    tpu.vector_store %arg9[%swap3A_45, %swap3A_46], %div3A_44 {strides = array<i32>} : memref<2000x128xf32, #tpu.memory_space<vmem>>, vector<2000x128xf32>,
    return
  }
  func.func @transform_0(%arg0: i32) -> (i32, i32) {
    %c0_i32 = arith.constant 0 : i32
    %c0_i32_0 = arith.constant 0 : i32
    return %arg0, %c0_i32 : i32, i32
  }
  func.func @transform_1(%arg0: i32) -> (i32, i32) {
    %c0_i32 = arith.constant 0 : i32
    %c0_i32_0 = arith.constant 0 : i32
    %c0_i32_1 = arith.constant 0 : i32
    return %c0_i32, %c0_i32_0 : i32, i32
  }
  func.func @transform_2(%arg0: i32) -> (i32, i32) {
    %c0_i32 = arith.constant 0 : i32
    %c0_i32_0 = arith.constant 0 : i32
    %c0_i32_1 = arith.constant 0 : i32
    return %c0_i32, %c0_i32_0 : i32, i32
  }
  func.func @transform_3(%arg0: i32) -> (i32, i32) {
    %c0_i32 = arith.constant 0 : i32
    %c0_i32_0 = arith.constant 0 : i32
    %c0_i32_1 = arith.constant 0 : i32
    return %c0_i32, %c0_i32_0 : i32, i32
  }
  func.func @transform_4(%arg0: i32) -> (i32, i32) {
    %c0_i32 = arith.constant 0 : i32
    %c0_i32_0 = arith.constant 0 : i32
    %c0_i32_1 = arith.constant 0 : i32
    return %c0_i32, %c0_i32_0 : i32, i32
  }
  func.func @transform_5(%arg0: i32) -> (i32, i32) {
    %c0_i32 = arith.constant 0 : i32
    %c0_i32_0 = arith.constant 0 : i32
    return %arg0, %c0_i32 : i32, i32
  }
  func.func @transform_6(%arg0: i32) -> (i32, i32, i32) {
    %c0_i32 = arith.constant 0 : i32
    %c0_i32_0 = arith.constant 0 : i32
    %c0_i32_1 = arith.constant 0 : i32
    return %c0_i32, %arg0, %c0_i32_0 : i32, i32, i32
  }
  func.func @transform_7(%arg0: i32) -> (i32, i32) {
    %c0_i32 = arith.constant 0 : i32
    %c0_i32_0 = arith.constant 0 : i32
    return %arg0, %c0_i32 : i32, i32
  }
  func.func @transform_8(%arg0: i32) -> (i32, i32) {
    %c0_i32 = arith.constant 0 : i32
    %c0_i32_0 = arith.constant 0 : i32
    return %arg0, %c0_i32 : i32, i32
  }
}

module attributes {stable_mosaic.version = 14 : i64} {
  func.func @_k4_body(%arg0: i32, %arg1: memref<2x2000x128xf32, #tpu.memory_space<vmem>>, %arg2: memref<2000x1xf32, #tpu.memory_space<vmem>>, %arg3: memref<2000x128xf32, #tpu.memory_space<vmem>>, %arg4: memref<2000x128xf32, #tpu.memory_space<vmem>>) attributes {dimension_semantics = [#tpu.dimension_semantics<arbitrary>], iteration_bounds = array<i64: 5>, scalar_prefetch = 0 : i64, scratch_operands = 0 : i64, tpu.core_type = #tpu.core_type<tc>, window_params = [{transform_indices = @transform_0, window_bounds = array<i64: 2, 2000, 128>}, {transform_indices = @transform_1, window_bounds = array<i64: 2000, 1>}, {transform_indices = @transform_2, window_bounds = array<i64: 2000, 128>}, {transform_indices = @transform_3, window_bounds = array<i64: 2000, 128>}]} {
    %get3A = arith.constant 0 : index
    %get3A_0 = arith.constant 0 : index
    %get3A_1 = arith.constant 0 : index
    %get3A_2 = vector.load %arg1[%get3A, %get3A_0, %get3A_1] : memref<2x2000x128xf32, #tpu.memory_space<vmem>>, vector<1x2000x128xf32>
    %get3A_3 = vector.shape_cast %get3A_2 : vector<1x2000x128xf32> to vector<2000x128xf32>
    %get3A_4 = arith.constant 1 : index
    %get3A_5 = arith.constant 0 : index
    %get3A_6 = arith.constant 0 : index
    %get3A_7 = vector.load %arg1[%get3A_4, %get3A_5, %get3A_6] : memref<2x2000x128xf32, #tpu.memory_space<vmem>>, vector<1x2000x128xf32>
    %get3A_8 = vector.shape_cast %get3A_7 : vector<1x2000x128xf32> to vector<2000x128xf32>
    %add3A = arith.addf %get3A_3, %get3A_8 : vector<2000x128xf32>
    %get3A_9 = arith.constant 0 : index
    %get3A_10 = arith.constant 0 : index
    %get3A_11 = vector.load %arg2[%get3A_9, %get3A_10] : memref<2000x1xf32, #tpu.memory_space<vmem>>, vector<2000x1xf32>
    %mul3A = vector.broadcast %get3A_11 : vector<2000x1xf32> to vector<2000x128xf32>
    %mul3A_12 = arith.mulf %add3A, %mul3A : vector<2000x128xf32>
    %get3A_13 = arith.constant 0 : index
    %get3A_14 = arith.constant 0 : index
    %get3A_15 = vector.load %arg3[%get3A_13, %get3A_14] : memref<2000x128xf32, #tpu.memory_space<vmem>>, vector<2000x128xf32>
    %add3A_16 = arith.addf %mul3A_12, %get3A_15 : vector<2000x128xf32>
    %swap3A = arith.constant 0 : index
    %swap3A_17 = arith.constant 0 : index
    %swap3A_18 = vector.load %arg4[%swap3A, %swap3A_17] : memref<2000x128xf32, #tpu.memory_space<vmem>>, vector<2000x128xf32>
    tpu.vector_store %arg4[%swap3A, %swap3A_17], %add3A_16 {strides = array<i32>} : memref<2000x128xf32, #tpu.memory_space<vmem>>, vector<2000x128xf32>,
    return
  }
  func.func @transform_0(%arg0: i32) -> (i32, i32, i32) {
    %c0_i32 = arith.constant 0 : i32
    %c0_i32_0 = arith.constant 0 : i32
    %c0_i32_1 = arith.constant 0 : i32
    return %c0_i32, %arg0, %c0_i32_0 : i32, i32, i32
  }
  func.func @transform_1(%arg0: i32) -> (i32, i32) {
    %c0_i32 = arith.constant 0 : i32
    %c0_i32_0 = arith.constant 0 : i32
    return %arg0, %c0_i32 : i32, i32
  }
  func.func @transform_2(%arg0: i32) -> (i32, i32) {
    %c0_i32 = arith.constant 0 : i32
    %c0_i32_0 = arith.constant 0 : i32
    return %arg0, %c0_i32 : i32, i32
  }
  func.func @transform_3(%arg0: i32) -> (i32, i32) {
    %c0_i32 = arith.constant 0 : i32
    %c0_i32_0 = arith.constant 0 : i32
    return %arg0, %c0_i32 : i32, i32
  }
}

</mosaic_0001>

<sc_bundles>
// kernel: kernel.6.cloned.1.call-start
scs
__scs_entry_jumppad:
0x0: {  	(pc) =	sbr.rel $0x88, $3  }
0x1: {  	(tag) =	ssettag $0x0;
	lr =	simm.s32 $0x1  }
0x2: {  	[smem:$0x3F9A] =	sst lr;
	_ =	strace $0xD0000000  }
0x3: {  	_ = 	snop  }
0x4: {  	_ = 	snop  }
0x5: {  	_ = 	snop  }
0x6: {  	_ = 	snop  }
0x7: {  	_ = 	snop  }
__scs_overlays_trampoline_lowered:
0x8: {  	[smem:$0x3FA9] =	sst s0  }
0x9: {  	[smem:$0x3FAA] =	sst s1  }
0xa: {  	[smem:$0x3FAB] =	sst s2  }
0xb: {  	[smem:$0x3FAC] =	sst s3  }
0xc: {  	[smem:$0x3FAD] =	sst s4  }
0xd: {  	[smem:$0x3FAE] =	sst s5  }
0xe: {  	[smem:$0x3FAF] =	sst s6  }
0xf: {  	[smem:$0x3FB0] =	sst s7  }
0x10: {  	[smem:$0x3FB1] =	sst s8  }
0x11: {  	[smem:$0x3FB2] =	sst s9;
	s0 =	simm.s32 @!p0 $0x0  }
0x12: {  	s1 =	sld [smem:$0x3F98];
	s0 =	simm.s32 @p0 $0x1  }
0x13: {  	[smem:$0x3FB3] =	sst s0;
	s0 =	simm.s32 @!p1 $0x0  }
0x14: {  	s2 =	sld [smem:$0x3F97];
	s0 =	simm.s32 @p1 $0x1  }
0x15: {  	[smem:$0x3FB4] =	sst s0;
	s0 =	simm.s32 @!p2 $0x0  }
0x16: {  	s3 =	sld [smem:$0x3FDB];
	s0 =	simm.s32 @p2 $0x1  }
0x17: {  	s4 =	simm.s32 $0x1BF5;
	[smem:$0x3FB6] =	sst s0  }
0x18: {  	s0 =	sld [smem:$0x3F99];
	_ =	swait.ge [sflag:s4], $0x0  }
0x19: {  	s7 =	sld [smem:$0x3F9A]  }
0x1a: {  	s8 =	sadd.s32 $0xFFFFE003, lr  }
0x1b: {  	s9 =	sadd.s32 $0xFFFFFEF7, lr;
	s5 =	simm.s32 $0xFFFFFFFF;
	p2 =	slt.u32 s8, $0xFFFFF086  }
0x1c: {  	p1 =	slt.u32 s9, $0xF7A;
	s5 =	simm.s32 @!p2 $0x0  }
0x1d: {  	s5 =	simm.s32 @p1 $0x1;
	p0 =	seq.s32 s7, s2  }
0x1e: {  	s7 =	smul.u32 @!p0 $0xF7A, s2;
	p2 =	seq.s32 @!p0 s5, $0x0  }
0x1f: {  	s9 =	smul.u32 $0xF7A, s1;
	s8 =	simm.s32 @!p0 $0x1BF5;
	p2 =	por !p2, p0  }
0x20: {  	[sflag:s8] =	ssyncset.s32 @!p0 $0xFFFFF086;
	s6 =	sadd.s32 @!p0 s3, s7;
	s7 =	simm.s32 @!p0 $0x108  }
0x21: {  	s3 =	sadd.s32 s3, s9;
	s6 =	sadd.s32 @!p0 $0x88, s6;
	s7 =	simm.s32 @p2 $0x1082  }
0x22: {  	[simem:s7], [sflag:s8] =	dma.local @!p0 [hbm:s6], $0xF7A  }
0x23: {  	s9 =	sor.u32 $0xD0000000, s2;
	s6 =	simm.s32 $0x108;
	_ =	swait.ge @!p0 [sflag:s8], $0x0  }
0x24: {  	s3 =	sadd.s32 $0x88, s3;
	s6 =	simm.s32 @!p1 $0x1082;
	[sflag:s4] =	ssyncset.s32 $0xFFFFF086  }
0x25: {  	[simem:s6], [sflag:s4] =	dma.local [hbm:s3], $0xF7A  }
0x26: {  	[smem:$0x3F9A] =	sst s1;
	(tag) =	ssettag s2;
	_ =	strace s9  }
0x27: {  	s1 =	sld [smem:$0x3FAA]  }
0x28: {  	s2 =	sld [smem:$0x3FAB]  }
0x29: {  	s4 =	sld [smem:$0x3FAD]  }
0x2a: {  	p0 =	seq.s32 s5, $0x0;
	s5 =	sld [smem:$0x3FAE]  }
0x2b: {  	s6 =	sld [smem:$0x3FAF]  }
0x2c: {  	s7 =	sld [smem:$0x3FB0]  }
0x2d: {  	s3 =	simm.s32 $0x108;
	s8 =	sld [smem:$0x3FB1]  }
0x2e: {  	s3 =	simm.s32 @!p0 $0x1082;
	s9 =	sld [smem:$0x3FB2]  }
0x2f: {  	lr =	sadd.s32 s0, s3;
	s0 =	sld [smem:$0x3FA9]  }
0x30: {  	s3 =	sld [smem:$0x3FAC]  }
0x31: {  	[smem:$0x3FB5] =	sst s10  }
0x32: {  	s10 =	sld [smem:$0x3FB3];
	_ =	sdelay $0x3  }
0x33: {  	p0 =	seq.s32 s10, $0x1;
	s10 =	sld [smem:$0x3FB5];
	_ =	sdelay $0x3  }
0x34: {  	[smem:$0x3FB5] =	sst s10  }
0x35: {  	s10 =	sld [smem:$0x3FB4];
	_ =	sdelay $0x3  }
0x36: {  	p1 =	seq.s32 s10, $0x1;
	s10 =	sld [smem:$0x3FB5];
	_ =	sdelay $0x3  }
0x37: {  	[smem:$0x3FB5] =	sst s10  }
0x38: {  	s10 =	sld [smem:$0x3FB6]  }
0x39: {  	_ = 	snop;
	(pc) =	sbr.ind lr, $3  }
0x3a: {  	_ = 	snop  }
0x3b: {  	_ = 	snop  }
0x3c: {  	p2 =	seq.s32 s10, $0x1;
	s10 =	sld [smem:$0x3FB5]  }
0x3d: {  	_ =	shalt  }
0x3e: {  	_ =	shalt  }
0x3f: {  	_ =	shalt  }
0x40: {  	_ =	shalt  }
0x41: {  	_ =	shalt  }
0x42: {  	_ =	shalt  }
0x43: {  	_ =	shalt  }
0x44: {  	_ =	shalt  }
0x45: {  	_ =	shalt  }
0x46: {  	_ =	shalt  }
0x47: {  	_ =	shalt  }
0x48: {  	_ =	shalt  }
0x49: {  	_ =	shalt  }
0x4a: {  	_ =	shalt  }
0x4b: {  	_ =	shalt  }
0x4c: {  	_ =	shalt  }
0x4d: {  	_ =	shalt  }
0x4e: {  	_ =	shalt  }
0x4f: {  	_ =	shalt  }
0x50: {  	_ =	shalt  }
0x51: {  	_ =	shalt  }
0x52: {  	_ =	shalt  }
0x53: {  	_ =	shalt  }
0x54: {  	_ =	shalt  }
0x55: {  	_ =	shalt  }
0x56: {  	_ =	shalt  }
0x57: {  	_ =	shalt  }
0x58: {  	_ =	shalt  }
0x59: {  	_ =	shalt  }
0x5a: {  	_ =	shalt  }
0x5b: {  	_ =	shalt  }
0x5c: {  	_ =	shalt  }
0x5d: {  	_ =	shalt  }
0x5e: {  	_ =	shalt  }
0x5f: {  	_ =	shalt  }
0x60: {  	_ =	shalt  }
0x61: {  	_ =	shalt  }
0x62: {  	_ =	shalt  }
0x63: {  	_ =	shalt  }
0x64: {  	_ =	shalt  }
0x65: {  	_ =	shalt  }
0x66: {  	_ =	shalt  }
0x67: {  	_ =	shalt  }
0x68: {  	_ =	shalt  }
0x69: {  	_ =	shalt  }
0x6a: {  	_ =	shalt  }
0x6b: {  	_ =	shalt  }
0x6c: {  	_ =	shalt  }
0x6d: {  	_ =	shalt  }
0x6e: {  	_ =	shalt  }
0x6f: {  	_ =	shalt  }
0x70: {  	_ =	shalt  }
0x71: {  	_ =	shalt  }
0x72: {  	_ =	shalt  }
0x73: {  	_ =	shalt  }
0x74: {  	_ =	shalt  }
0x75: {  	_ =	shalt  }
0x76: {  	_ =	shalt  }
0x77: {  	_ =	shalt  }
0x78: {  	_ =	shalt  }
0x79: {  	_ =	shalt  }
0x7a: {  	_ =	shalt  }
0x7b: {  	_ =	shalt  }
0x7c: {  	_ =	shalt  }
0x7d: {  	_ =	shalt  }
0x7e: {  	_ =	shalt  }
0x7f: {  	_ =	shalt  }
0x80: {  	_ =	shalt  }
0x81: {  	_ =	shalt  }
0x82: {  	_ =	shalt  }
0x83: {  	_ =	shalt  }
0x84: {  	_ =	shalt  }
0x85: {  	_ =	shalt  }
0x86: {  	_ =	shalt  }
0x87: {  	_ =	shalt  }
.Lfunc_end0:
.L_simem_size_0:
called_computation_lowered:
.L_overlay_start_0:
0x88: {  	s2 =	sld [smem:$0x3FD9]  }
0x89: {  	s3 =	sld [smem:$0x3FFE];
	_ =	sdelay $0x1  }
0x8a: {  	s1 =	srdreg.scid  }
0x8b: {  	s0 =	sand.u32 $0x1, s1  }
0x8c: {  	s16 =	sshll.u32 s0, $0xA;
	s2 =	sadd.s32 s3, s2  }
0x8d: {  	s2 =	sadd.s32 s2, s16  }
0x8e: {  	[smem:$0x3FC1] =	sst s2  }
0x8f: {  	_ = 	snop  }
0x90: {  	(tm) =	ssettm $0x1  }
0x91: {  	s17 =	sld [smem:$0x3FFB];
	_ =	sdelay $0x3  }
0x92: {  	_ =	strace s17  }
0x93: {  	s2 =	sld [smem:$0x3FFC];
	_ =	sdelay $0x3  }
0x94: {  	_ =	strace s2  }
0x95: {  	s2 =	sld [smem:$0x3FFD];
	_ =	sdelay $0x3  }
0x96: {  	_ =	strace s2  }
0x97: {  	_ =	strace $0x8FFFFFFF  }
0x98: {  	s18 =	sld [smem:$0x3FDB];
	_ =	sdelay $0x1  }
0x99: {  	s19 =	simm.s32 $_scs_section_size  }
0x9a: {  	s4 =	simm.s32 $_size__tile_overlayer_lowered;
	s5 =	simm.s32 $_tile_overlayer_lowered  }
0x9b: {  	s22 =	simm.s32 $0x1BFF;
	s21 =	sshll.u32 s5, $0x1;
	s2 =	sadd.s32 s19, s18  }
0x9c: {  	s6 =	simm.s32 $0x0;
	s20 =	sshll.u32 s4, $0x1;
	s4 =	sadd.s32 s21, s2  }
0x9d: {  	[timem:s6], [sflag:s22] =	dma.local [hbm:s4], s20  }
0x9e: {  	_ =	swait.ge [sflag:s22], s20  }
0x9f: {  	s3 =	ssub.s32 $0x0, s20;
	[sflag:s22] =	ssyncset.done $0x0  }
0xa0: {  	[sflag:s22] =	ssyncadd.s32 s3;
	_ =	sdelay $0x1  }
0xa1: {  	s23 =	simm.s32 $0x1B8B  }
0xa2: {  	_ =	swait.ge [sflag:s23], $0x1  }
0xa3: {  	[sflag:s23] =	ssyncset.done $0x0  }
0xa4: {  	s25 =	simm.s32 $0x1B8E;
	s24 =	sld [smem:$0x3FFE];
	[sflag:s23] =	ssyncadd.s32 $0xFFFFFFFF  }
0xa5: {  	s26 =	simm.s32 $execute0_lowered;
	[smem:$0x3FD2] =	sst s25  }
0xa6: {  	s4 =	sshll.u32 s26, $0x1;
	_ =	strace $0x80000046;
	[dreg:$0x1] =	wrdreg $0xFFFFFFFF  }
0xa7: {  	s28 =	simm.s32 $_size_execute0_lowered;
	s2 =	sadd.s32 s2, s4;
	[dreg:$0x0] =	wrdreg $0x0  }
0xa8: {  	s4 =	sshll.u32 s28, $0x1;
	[dreg:$0x2] =	wrdreg s2  }
0xa9: {  	[dreg:$0x3] =	wrdreg s4  }
0xaa: {  	[dreg:$0x4] =	wrdreg $0xC0  }
0xab: {  	_ =	task [dreg:s6], $0x5FFFF  }
0xac: {  	[dreg:$0x1] =	wrdreg $0xFFFFFFFF  }
0xad: {  	[dreg:$0x0] =	wrdreg $0x60  }
0xae: {  	[dreg:$0x2] =	wrdreg s24  }
0xaf: {  	[dreg:$0x3] =	wrdreg $0x0  }
0xb0: {  	[dreg:$0x4] =	wrdreg $0x9  }
0xb1: {  	_ =	task.clear_ibuf [dreg:s6], $0x5FFFF;
	_ =	strace $0x90000046  }
0xb2: {  	s29 =	simm.s32 $0x9;
	_ =	strace $0x80000048  }
0xb3: {  	_ =	swait.ge [sflag:s29], $0x1  }
0xb4: {  	[sflag:s29] =	ssyncadd.s32 $0xFFFFFFFF  }
0xb5: {  	_ =	strace $0x90000048  }
0xb6: {  	_ =	sfence  }
0xb7: {  	s30 =	sld [smem:$0x0];
	_ =	sdelay $0x2  }
0xb8: {  	s31 =	sshll.u32 s1, $0xD;
	s1 =	sshrl.u32 s1, $0x2  }
0xb9: {  	s3 =	sand.u32 $0x4000, s31;
	s1 =	sadd.s32 s1, s30  }
0xba: {  	s0 =	sor.u32 s3, s0;
	s1 =	sshll.u32 s1, $0x11  }
0xbb: {  	s0 =	sor.u32 s1, s0  }
0xbc: {  	s0 =	sadd.s32 $0x8F2B, s0  }
0xbd: {  	[sflag:s0] =	ssyncadd.remote.s32 $0x1  }
0xbe: {  	_ =	sfence.sel $0xFFFF  }
0xbf: {  	[dreg:$0x0] =	wrdreg $0xFFFFFFFF;
	(pc) =	sbr.abs _section_cstart, $3  }
0xc0: {  	[dreg:$0x1] =	wrdreg $0xFFFFFFFF  }
0xc1: {  	_ =	task.clear_ibuf [dreg:s6], $0x2FFFF;
	_ =	strace $0x9FFFFFFF  }
0xc2: {  	(tm) =	ssettm $0x7FFFFFFF  }
0xc3: {  	_ =	shalt  }
tec
execute0_lowered:
.L_overlay_start_1:
0x0: {  	(tag) =	ssettag $0x1  }
0x1: {  	s0 =	rddreg [dreg:$0x0]  }
0x2: {  	s2 =	rddreg [dreg:$0x1]  }
0x3: {  	s1 =	srdreg.scid;
	s8 =	stileid.u32  }
0x4: {  	s3 =	simm.s32 $0x0;
	s12 =	simm.s32 $0x2;
	s13 =	simm.s32 $0xA00  }
0x5: {  	s14 =	simm.s32 $0x80;
	s15 =	simm.s32 $0x1600;
	s17 =	simm.s32 $0xB00  }
0x6: {  	s18 =	simm.s32 $0xB80;
	s19 =	simm.s32 $0xC00;
	s28 =	simm.s32 $0x1000  }
0x7: {  	s29 =	simm.s32 $0x1080;
	s30 =	simm.s32 $0x1100;
	s31 =	simm.s32 $0x1180  }
0x8: {  	s11 =	simm.s32 $0x1300;
	s16 =	simm.s32 $0x10;
	s1 =	sand.u32 $0x1, s1  }
0x9: {  	s4 =	smul.u32 $0x1400, s8;
	[smem:$0x7FF] =	sst s3;
	s6 =	sshll.u32 s8, $0x1  }
0xa: {  	s21 =	sadd.s32 $0x1C00, s0;
	s22 =	smul.u32 $0x2800, s8;
	s8 =	simm.s32 $0x0  }
0xb: {  	s5 =	sshll.u32 s1, $0x7;
	_ =	strace $0x80000047;
	s20 =	sor.u32 s1, s6  }
0xc: {  	s1 =	ssub.s32 $0x2, s1;
	s4 =	sor.u32 s5, s4;
	s7 =	smul.u32 $0xC00, s20  }
0xd: {  	s23 =	sshrl.u32 s1, $0x1;
	s9 =	smul.u32 $0x480, s20;
	p0 =	sgt.u32 s20, $0x1C  }
0xe: {  	s20 =	simm.s32 $0xC80;
	s5 =	simm.s32 $0x1380;
	s4 =	sshrl.u32 s4, $0x3  }
0xf: {  	s1 =	ssub.s32 s1, s23;
	s23 =	simm.s32 $0xE00;
	s0 =	sadd.s32 s4, s0  }
0x10: {  	s7 =	sshrl.u32 s7, $0x3;
	s4 =	sshrl.u32 s22, $0x2;
	s6 =	sadd.s32 s21, s9  }
0x11: {  	s24 =	smax.u32 s1, $0x1;
	s22 =	simm.s32 $0xD80;
	s1 =	simm.s32 $0x1280  }
0x12: {  	s7 =	sadd.s32 s21, s7;
	s4 =	sadd.s32 s4, s2;
	[dreg:$0x6] =	wrdreg s24  }
0x13: {  	s0 =	sadd.s32 $0xD800, s0;
	s25 =	sadd.s32 $0x180, s6;
	[dreg:$0x4] =	wrdreg s6  }
0x14: {  	s26 =	sadd.s32 $0x300, s6;
	s21 =	simm.s32 $0xD00;
	[dreg:$0x5] =	wrdreg s0  }
0x15: {  	s24 =	simm.s32 $0xE80;
	s7 =	sadd.s32 $0x9000, s7;
	[dreg:$0x7] =	wrdreg s25  }
0x16: {  	[dreg:$0x8] =	wrdreg s26;
	s25 =	simm.s32 $0xF00;
	s26 =	simm.s32 $0xF80  }
0x17: {  	v0 =	vimm.f32 $0.0e+00;
	v1 =	vimm.f32 $1.000000000e+00;
	s0 =	simm.s32 $0x1200;
	[dreg:$0x3] =	wrdreg s7;
	s7 =	simm.s32 $0x1  }
.LBB2_1:
0x18: {  	s9 =	simm.s32 $0x40;
	s10 =	simm.s32 $0x0  }
.LBB2_2:
0x19: {  	p1 =	sne.s32 s9, $0x27C0;
	[tilespmem:s10+$0x1680] =	vst v0;
	s10 =	smov.u32 s9;
	s9 =	sadd.s32 $0x40, s9  }
.Ltmp0:
0x1a: {  	(pc) =	sbr.rel @p1 .LBB2_2-.Ltmp0, $2  }
0x1b: {  	_ =	sdelay $0x2  }
0x1c: {  	s10 =	sshra.s32 s10, $0x2  }
0x1d: {  	[tilespmem:s10+$0x1680] =	vst v0  }
0x1e: {  	[tilespmem:$0x1600] =	vst v1  }
0x1f: {  	[tilespmem:$0x1610] =	vst v1  }
0x20: {  	[tilespmem:$0x1620] =	vst v1  }
0x21: {  	[tilespmem:$0x1630] =	vst v1  }
0x22: {  	[tilespmem:$0x1640] =	vst v1  }
0x23: {  	[tilespmem:$0x1650] =	vst v1  }
0x24: {  	[tilespmem:$0x1660] =	vst v1  }
0x25: {  	s6 =	simm.s32 $0x1680;
	[tilespmem:$0x1670] =	vst v1  }
0x26: {  	[spmem:s4] =	stream.linear.scatter [tilespmem:s6], [sflag:$0x2], $0xA00, $0x38;
	[tilespmem:$0x2080] =	vst v63  }
0x27: {  	_ =	swait.ge [sflag:s12], $0xA00  }
0x28: {  	[sflag:s12] =	ssyncset.done $0x0  }
0x29: {  	[sflag:s12] =	ssyncadd.s32 $0xFFFFF600  }
0x2a: {  	[bflag:$0x0] =	sbarrier.arrive $0xFFFF  }
0x2b: {  	s3 =	simm.s32 $0x0;
	s9 =	rddreg [dreg:$0x4]  }
0x2c: {  	[tilespmem:s13], [sflag:$0x2] =	stream.linear.gather [hbm4b:s9+s3], $0xA00, $0x38;
	[tilespmem:$0x2080] =	vst v63  }
0x2d: {  	_ =	swait.ge [sflag:s12], $0xA00  }
0x2e: {  	[sflag:s12] =	ssyncset.done $0x0  }
0x2f: {  	[sflag:s12] =	ssyncadd.s32 $0xFFFFF600  }
0x30: {  	[spmem:s2] =	stream.indirect.scatter.add.f32 [tilespmem:s15], [sflag:$0x1], $0x1, s13, s14, $0xb8;
	[tilespmem:$0x2080] =	vst v63  }
0x31: {  	s9 =	simm.s32 $0xA80  }
0x32: {  	[spmem:s2] =	stream.indirect.scatter.add.f32 [tilespmem:s15], [sflag:$0x1], $0x1, s9, s14, $0xb8;
	[tilespmem:$0x2080] =	vst v63  }
0x33: {  	_ = 	snop  }
0x34: {  	[spmem:s2] =	stream.indirect.scatter.add.f32 [tilespmem:s15], [sflag:$0x1], $0x1, s17, s14, $0xb8;
	[tilespmem:$0x2080] =	vst v63  }
0x35: {  	_ = 	snop  }
0x36: {  	[spmem:s2] =	stream.indirect.scatter.add.f32 [tilespmem:s15], [sflag:$0x1], $0x1, s18, s14, $0xb8;
	[tilespmem:$0x2080] =	vst v63  }
0x37: {  	_ = 	snop  }
0x38: {  	[spmem:s2] =	stream.indirect.scatter.add.f32 [tilespmem:s15], [sflag:$0x1], $0x1, s19, s14, $0xb8;
	[tilespmem:$0x2080] =	vst v63  }
0x39: {  	_ = 	snop  }
0x3a: {  	[spmem:s2] =	stream.indirect.scatter.add.f32 [tilespmem:s15], [sflag:$0x1], $0x1, s20, s14, $0xb8;
	[tilespmem:$0x2080] =	vst v63  }
0x3b: {  	_ = 	snop  }
0x3c: {  	[spmem:s2] =	stream.indirect.scatter.add.f32 [tilespmem:s15], [sflag:$0x1], $0x1, s21, s14, $0xb8;
	[tilespmem:$0x2080] =	vst v63  }
0x3d: {  	_ = 	snop  }
0x3e: {  	[spmem:s2] =	stream.indirect.scatter.add.f32 [tilespmem:s15], [sflag:$0x1], $0x1, s22, s14, $0xb8;
	[tilespmem:$0x2080] =	vst v63  }
0x3f: {  	_ = 	snop  }
0x40: {  	[spmem:s2] =	stream.indirect.scatter.add.f32 [tilespmem:s15], [sflag:$0x1], $0x1, s23, s14, $0xb8;
	[tilespmem:$0x2080] =	vst v63  }
0x41: {  	_ = 	snop  }
0x42: {  	[spmem:s2] =	stream.indirect.scatter.add.f32 [tilespmem:s15], [sflag:$0x1], $0x1, s24, s14, $0xb8;
	[tilespmem:$0x2080] =	vst v63  }
0x43: {  	_ = 	snop  }
0x44: {  	[spmem:s2] =	stream.indirect.scatter.add.f32 [tilespmem:s15], [sflag:$0x1], $0x1, s25, s14, $0xb8;
	[tilespmem:$0x2080] =	vst v63  }
0x45: {  	_ = 	snop  }
0x46: {  	[spmem:s2] =	stream.indirect.scatter.add.f32 [tilespmem:s15], [sflag:$0x1], $0x1, s26, s14, $0xb8;
	[tilespmem:$0x2080] =	vst v63  }
0x47: {  	_ = 	snop  }
0x48: {  	[spmem:s2] =	stream.indirect.scatter.add.f32 [tilespmem:s15], [sflag:$0x1], $0x1, s28, s14, $0xb8;
	[tilespmem:$0x2080] =	vst v63  }
0x49: {  	_ = 	snop  }
0x4a: {  	[spmem:s2] =	stream.indirect.scatter.add.f32 [tilespmem:s15], [sflag:$0x1], $0x1, s29, s14, $0xb8;
	[tilespmem:$0x2080] =	vst v63  }
0x4b: {  	_ = 	snop  }
0x4c: {  	[spmem:s2] =	stream.indirect.scatter.add.f32 [tilespmem:s15], [sflag:$0x1], $0x1, s30, s14, $0xb8;
	[tilespmem:$0x2080] =	vst v63  }
0x4d: {  	_ = 	snop  }
0x4e: {  	[spmem:s2] =	stream.indirect.scatter.add.f32 [tilespmem:s15], [sflag:$0x1], $0x1, s31, s14, $0xb8;
	[tilespmem:$0x2080] =	vst v63  }
0x4f: {  	_ = 	snop  }
0x50: {  	[spmem:s2] =	stream.indirect.scatter.add.f32 [tilespmem:s15], [sflag:$0x1], $0x1, s0, s14, $0xb8;
	[tilespmem:$0x2080] =	vst v63  }
0x51: {  	_ = 	snop  }
0x52: {  	[spmem:s2] =	stream.indirect.scatter.add.f32 [tilespmem:s15], [sflag:$0x1], $0x1, s1, s14, $0xb8;
	[tilespmem:$0x2080] =	vst v63  }
0x53: {  	_ = 	snop  }
0x54: {  	[spmem:s2] =	stream.indirect.scatter.add.f32 [tilespmem:s15], [sflag:$0x1], $0x1, s11, s14, $0xb8;
	[tilespmem:$0x2080] =	vst v63  }
0x55: {  	_ = 	snop  }
0x56: {  	[spmem:s2] =	stream.indirect.scatter.add.f32 [tilespmem:s15], [sflag:$0x1], $0x1, s5, s14, $0xb8;
	[tilespmem:$0x2080] =	vst v63  }
0x57: {  	_ =	swait.ge [sflag:s7], $0xA00  }
0x58: {  	[sflag:s7] =	ssyncset.done $0x0  }
0x59: {  	s10 =	rddreg [dreg:$0x7];
	[sflag:s7] =	ssyncadd.s32 $0xFFFFF600  }
0x5a: {  	[tilespmem:s13], [sflag:$0x2] =	stream.linear.gather [hbm4b:s10+s3], $0xA00, $0x38;
	[tilespmem:$0x2080] =	vst v63  }
0x5b: {  	_ =	swait.ge [sflag:s12], $0xA00  }
0x5c: {  	[sflag:s12] =	ssyncset.done $0x0  }
0x5d: {  	[sflag:s12] =	ssyncadd.s32 $0xFFFFF600  }
0x5e: {  	[spmem:s2] =	stream.indirect.scatter.add.f32 [tilespmem:s15], [sflag:$0x1], $0x1, s13, s14, $0xb8;
	[tilespmem:$0x2080] =	vst v63  }
0x5f: {  	_ = 	snop  }
0x60: {  	[spmem:s2] =	stream.indirect.scatter.add.f32 [tilespmem:s15], [sflag:$0x1], $0x1, s9, s14, $0xb8;
	[tilespmem:$0x2080] =	vst v63  }
0x61: {  	_ = 	snop  }
0x62: {  	[spmem:s2] =	stream.indirect.scatter.add.f32 [tilespmem:s15], [sflag:$0x1], $0x1, s17, s14, $0xb8;
	[tilespmem:$0x2080] =	vst v63  }
0x63: {  	_ = 	snop  }
0x64: {  	[spmem:s2] =	stream.indirect.scatter.add.f32 [tilespmem:s15], [sflag:$0x1], $0x1, s18, s14, $0xb8;
	[tilespmem:$0x2080] =	vst v63  }
0x65: {  	_ = 	snop  }
0x66: {  	[spmem:s2] =	stream.indirect.scatter.add.f32 [tilespmem:s15], [sflag:$0x1], $0x1, s19, s14, $0xb8;
	[tilespmem:$0x2080] =	vst v63  }
0x67: {  	_ = 	snop  }
0x68: {  	[spmem:s2] =	stream.indirect.scatter.add.f32 [tilespmem:s15], [sflag:$0x1], $0x1, s20, s14, $0xb8;
	[tilespmem:$0x2080] =	vst v63  }
0x69: {  	_ = 	snop  }
0x6a: {  	[spmem:s2] =	stream.indirect.scatter.add.f32 [tilespmem:s15], [sflag:$0x1], $0x1, s21, s14, $0xb8;
	[tilespmem:$0x2080] =	vst v63  }
0x6b: {  	_ = 	snop  }
0x6c: {  	[spmem:s2] =	stream.indirect.scatter.add.f32 [tilespmem:s15], [sflag:$0x1], $0x1, s22, s14, $0xb8;
	[tilespmem:$0x2080] =	vst v63  }
0x6d: {  	_ = 	snop  }
0x6e: {  	[spmem:s2] =	stream.indirect.scatter.add.f32 [tilespmem:s15], [sflag:$0x1], $0x1, s23, s14, $0xb8;
	[tilespmem:$0x2080] =	vst v63  }
0x6f: {  	_ = 	snop  }
0x70: {  	[spmem:s2] =	stream.indirect.scatter.add.f32 [tilespmem:s15], [sflag:$0x1], $0x1, s24, s14, $0xb8;
	[tilespmem:$0x2080] =	vst v63  }
0x71: {  	_ = 	snop  }
0x72: {  	[spmem:s2] =	stream.indirect.scatter.add.f32 [tilespmem:s15], [sflag:$0x1], $0x1, s25, s14, $0xb8;
	[tilespmem:$0x2080] =	vst v63  }
0x73: {  	_ = 	snop  }
0x74: {  	[spmem:s2] =	stream.indirect.scatter.add.f32 [tilespmem:s15], [sflag:$0x1], $0x1, s26, s14, $0xb8;
	[tilespmem:$0x2080] =	vst v63  }
0x75: {  	_ = 	snop  }
0x76: {  	[spmem:s2] =	stream.indirect.scatter.add.f32 [tilespmem:s15], [sflag:$0x1], $0x1, s28, s14, $0xb8;
	[tilespmem:$0x2080] =	vst v63  }
0x77: {  	_ = 	snop  }
0x78: {  	[spmem:s2] =	stream.indirect.scatter.add.f32 [tilespmem:s15], [sflag:$0x1], $0x1, s29, s14, $0xb8;
	[tilespmem:$0x2080] =	vst v63  }
0x79: {  	_ = 	snop  }
0x7a: {  	[spmem:s2] =	stream.indirect.scatter.add.f32 [tilespmem:s15], [sflag:$0x1], $0x1, s30, s14, $0xb8;
	[tilespmem:$0x2080] =	vst v63  }
0x7b: {  	_ = 	snop  }
0x7c: {  	[spmem:s2] =	stream.indirect.scatter.add.f32 [tilespmem:s15], [sflag:$0x1], $0x1, s31, s14, $0xb8;
	[tilespmem:$0x2080] =	vst v63  }
0x7d: {  	_ = 	snop  }
0x7e: {  	[spmem:s2] =	stream.indirect.scatter.add.f32 [tilespmem:s15], [sflag:$0x1], $0x1, s0, s14, $0xb8;
	[tilespmem:$0x2080] =	vst v63  }
0x7f: {  	_ = 	snop  }
0x80: {  	[spmem:s2] =	stream.indirect.scatter.add.f32 [tilespmem:s15], [sflag:$0x1], $0x1, s1, s14, $0xb8;
	[tilespmem:$0x2080] =	vst v63  }
0x81: {  	_ = 	snop  }
0x82: {  	[spmem:s2] =	stream.indirect.scatter.add.f32 [tilespmem:s15], [sflag:$0x1], $0x1, s11, s14, $0xb8;
	[tilespmem:$0x2080] =	vst v63  }
0x83: {  	_ = 	snop  }
0x84: {  	[spmem:s2] =	stream.indirect.scatter.add.f32 [tilespmem:s15], [sflag:$0x1], $0x1, s5, s14, $0xb8;
	[tilespmem:$0x2080] =	vst v63  }
0x85: {  	_ =	swait.ge [sflag:s7], $0xA00  }
0x86: {  	[sflag:s7] =	ssyncset.done $0x0  }
0x87: {  	s10 =	rddreg [dreg:$0x8];
	[sflag:s7] =	ssyncadd.s32 $0xFFFFF600  }
0x88: {  	[tilespmem:s13], [sflag:$0x2] =	stream.linear.gather [hbm4b:s10+s3], $0xA00, $0x38;
	[tilespmem:$0x2080] =	vst v63  }
0x89: {  	_ =	swait.ge [sflag:s12], $0xA00  }
0x8a: {  	[sflag:s12] =	ssyncset.done $0x0  }
0x8b: {  	[sflag:s12] =	ssyncadd.s32 $0xFFFFF600  }
0x8c: {  	[spmem:s2] =	stream.indirect.scatter.add.f32 [tilespmem:s15], [sflag:$0x1], $0x1, s13, s14, $0xb8;
	[tilespmem:$0x2080] =	vst v63  }
0x8d: {  	_ = 	snop  }
0x8e: {  	[spmem:s2] =	stream.indirect.scatter.add.f32 [tilespmem:s15], [sflag:$0x1], $0x1, s9, s14, $0xb8;
	[tilespmem:$0x2080] =	vst v63  }
0x8f: {  	_ = 	snop  }
0x90: {  	[spmem:s2] =	stream.indirect.scatter.add.f32 [tilespmem:s15], [sflag:$0x1], $0x1, s17, s14, $0xb8;
	[tilespmem:$0x2080] =	vst v63  }
0x91: {  	_ = 	snop  }
0x92: {  	[spmem:s2] =	stream.indirect.scatter.add.f32 [tilespmem:s15], [sflag:$0x1], $0x1, s18, s14, $0xb8;
	[tilespmem:$0x2080] =	vst v63  }
0x93: {  	_ = 	snop  }
0x94: {  	[spmem:s2] =	stream.indirect.scatter.add.f32 [tilespmem:s15], [sflag:$0x1], $0x1, s19, s14, $0xb8;
	[tilespmem:$0x2080] =	vst v63  }
0x95: {  	_ = 	snop  }
0x96: {  	[spmem:s2] =	stream.indirect.scatter.add.f32 [tilespmem:s15], [sflag:$0x1], $0x1, s20, s14, $0xb8;
	[tilespmem:$0x2080] =	vst v63  }
0x97: {  	_ = 	snop  }
0x98: {  	[spmem:s2] =	stream.indirect.scatter.add.f32 [tilespmem:s15], [sflag:$0x1], $0x1, s21, s14, $0xb8;
	[tilespmem:$0x2080] =	vst v63  }
0x99: {  	_ = 	snop  }
0x9a: {  	[spmem:s2] =	stream.indirect.scatter.add.f32 [tilespmem:s15], [sflag:$0x1], $0x1, s22, s14, $0xb8;
	[tilespmem:$0x2080] =	vst v63  }
0x9b: {  	_ = 	snop  }
0x9c: {  	[spmem:s2] =	stream.indirect.scatter.add.f32 [tilespmem:s15], [sflag:$0x1], $0x1, s23, s14, $0xb8;
	[tilespmem:$0x2080] =	vst v63  }
0x9d: {  	_ = 	snop  }
0x9e: {  	[spmem:s2] =	stream.indirect.scatter.add.f32 [tilespmem:s15], [sflag:$0x1], $0x1, s24, s14, $0xb8;
	[tilespmem:$0x2080] =	vst v63  }
0x9f: {  	_ = 	snop  }
0xa0: {  	[spmem:s2] =	stream.indirect.scatter.add.f32 [tilespmem:s15], [sflag:$0x1], $0x1, s25, s14, $0xb8;
	[tilespmem:$0x2080] =	vst v63  }
0xa1: {  	_ = 	snop  }
0xa2: {  	[spmem:s2] =	stream.indirect.scatter.add.f32 [tilespmem:s15], [sflag:$0x1], $0x1, s26, s14, $0xb8;
	[tilespmem:$0x2080] =	vst v63  }
0xa3: {  	_ = 	snop  }
0xa4: {  	[spmem:s2] =	stream.indirect.scatter.add.f32 [tilespmem:s15], [sflag:$0x1], $0x1, s28, s14, $0xb8;
	[tilespmem:$0x2080] =	vst v63  }
0xa5: {  	_ = 	snop  }
0xa6: {  	[spmem:s2] =	stream.indirect.scatter.add.f32 [tilespmem:s15], [sflag:$0x1], $0x1, s29, s14, $0xb8;
	[tilespmem:$0x2080] =	vst v63  }
0xa7: {  	_ = 	snop  }
0xa8: {  	[spmem:s2] =	stream.indirect.scatter.add.f32 [tilespmem:s15], [sflag:$0x1], $0x1, s30, s14, $0xb8;
	[tilespmem:$0x2080] =	vst v63  }
0xa9: {  	_ = 	snop  }
0xaa: {  	[spmem:s2] =	stream.indirect.scatter.add.f32 [tilespmem:s15], [sflag:$0x1], $0x1, s31, s14, $0xb8;
	[tilespmem:$0x2080] =	vst v63  }
0xab: {  	_ = 	snop  }
0xac: {  	[spmem:s2] =	stream.indirect.scatter.add.f32 [tilespmem:s15], [sflag:$0x1], $0x1, s0, s14, $0xb8;
	[tilespmem:$0x2080] =	vst v63  }
0xad: {  	_ = 	snop  }
0xae: {  	[spmem:s2] =	stream.indirect.scatter.add.f32 [tilespmem:s15], [sflag:$0x1], $0x1, s1, s14, $0xb8;
	[tilespmem:$0x2080] =	vst v63  }
0xaf: {  	_ = 	snop  }
0xb0: {  	[spmem:s2] =	stream.indirect.scatter.add.f32 [tilespmem:s15], [sflag:$0x1], $0x1, s11, s14, $0xb8;
	[tilespmem:$0x2080] =	vst v63  }
0xb1: {  	_ = 	snop  }
0xb2: {  	[spmem:s2] =	stream.indirect.scatter.add.f32 [tilespmem:s15], [sflag:$0x1], $0x1, s5, s14, $0xb8;
	[tilespmem:$0x2080] =	vst v63  }
0xb3: {  	_ =	swait.ge [sflag:s7], $0xA00  }
0xb4: {  	s10 =	simm.s32 @!p0 $0xA00;
	[sflag:s7] =	ssyncset.done $0x0  }
0xb5: {  	s9 =	simm.s32 @!p0 $0x0;
	s6 =	rddreg [dreg:$0x3];
	[sflag:s7] =	ssyncadd.s32 $0xFFFFF600  }
0xb6: {  	[tilespmem:s10], [sflag:$0x2] =	stream.linear.gather @!p0 [hbm4b:s6+s9], $0xA00, $0x38;
	[tilespmem:$0x2080] =	vst v63  }
0xb7: {  	s9 =	simm.s32 @!p0 $0x2  }
0xb8: {  	_ =	swait.ge @!p0 [sflag:s9], $0xA00  }
0xb9: {  	[sflag:s9] =	ssyncset.done @!p0 $0x0  }
0xba: {  	s6 =	simm.s32 @!p0 $0x1600;
	[sflag:s9] =	ssyncadd.s32 @!p0 $0xFFFFF600;
	s9 =	simm.s32 @!p0 $0x80  }
0xbb: {  	[spmem:s2] =	stream.indirect.scatter.add.f32 @!p0 [tilespmem:s6], [sflag:$0x1], $0x1, s10, s9, $0xb8;
	[tilespmem:$0x2080] =	vst v63  }
0xbc: {  	s10 =	simm.s32 @!p0 $0xA80  }
0xbd: {  	[spmem:s2] =	stream.indirect.scatter.add.f32 @!p0 [tilespmem:s6], [sflag:$0x1], $0x1, s10, s9, $0xb8;
	[tilespmem:$0x2080] =	vst v63  }
0xbe: {  	s10 =	simm.s32 @!p0 $0xB00  }
0xbf: {  	[spmem:s2] =	stream.indirect.scatter.add.f32 @!p0 [tilespmem:s6], [sflag:$0x1], $0x1, s10, s9, $0xb8;
	[tilespmem:$0x2080] =	vst v63  }
0xc0: {  	s10 =	simm.s32 @!p0 $0xB80  }
0xc1: {  	[spmem:s2] =	stream.indirect.scatter.add.f32 @!p0 [tilespmem:s6], [sflag:$0x1], $0x1, s10, s9, $0xb8;
	[tilespmem:$0x2080] =	vst v63  }
0xc2: {  	s10 =	simm.s32 @!p0 $0xC00  }
0xc3: {  	[spmem:s2] =	stream.indirect.scatter.add.f32 @!p0 [tilespmem:s6], [sflag:$0x1], $0x1, s10, s9, $0xb8;
	[tilespmem:$0x2080] =	vst v63  }
0xc4: {  	s10 =	simm.s32 @!p0 $0xC80  }
0xc5: {  	[spmem:s2] =	stream.indirect.scatter.add.f32 @!p0 [tilespmem:s6], [sflag:$0x1], $0x1, s10, s9, $0xb8;
	[tilespmem:$0x2080] =	vst v63  }
0xc6: {  	s10 =	simm.s32 @!p0 $0xD00  }
0xc7: {  	[spmem:s2] =	stream.indirect.scatter.add.f32 @!p0 [tilespmem:s6], [sflag:$0x1], $0x1, s10, s9, $0xb8;
	[tilespmem:$0x2080] =	vst v63  }
0xc8: {  	s10 =	simm.s32 @!p0 $0xD80  }
0xc9: {  	[spmem:s2] =	stream.indirect.scatter.add.f32 @!p0 [tilespmem:s6], [sflag:$0x1], $0x1, s10, s9, $0xb8;
	[tilespmem:$0x2080] =	vst v63  }
0xca: {  	s10 =	simm.s32 @!p0 $0xE00  }
0xcb: {  	[spmem:s2] =	stream.indirect.scatter.add.f32 @!p0 [tilespmem:s6], [sflag:$0x1], $0x1, s10, s9, $0xb8;
	[tilespmem:$0x2080] =	vst v63  }
0xcc: {  	s10 =	simm.s32 @!p0 $0xE80  }
0xcd: {  	[spmem:s2] =	stream.indirect.scatter.add.f32 @!p0 [tilespmem:s6], [sflag:$0x1], $0x1, s10, s9, $0xb8;
	[tilespmem:$0x2080] =	vst v63  }
0xce: {  	s10 =	simm.s32 @!p0 $0xF00  }
0xcf: {  	[spmem:s2] =	stream.indirect.scatter.add.f32 @!p0 [tilespmem:s6], [sflag:$0x1], $0x1, s10, s9, $0xb8;
	[tilespmem:$0x2080] =	vst v63  }
0xd0: {  	s10 =	simm.s32 @!p0 $0xF80  }
0xd1: {  	[spmem:s2] =	stream.indirect.scatter.add.f32 @!p0 [tilespmem:s6], [sflag:$0x1], $0x1, s10, s9, $0xb8;
	[tilespmem:$0x2080] =	vst v63  }
0xd2: {  	s10 =	simm.s32 @!p0 $0x1000  }
0xd3: {  	[spmem:s2] =	stream.indirect.scatter.add.f32 @!p0 [tilespmem:s6], [sflag:$0x1], $0x1, s10, s9, $0xb8;
	[tilespmem:$0x2080] =	vst v63  }
0xd4: {  	s10 =	simm.s32 @!p0 $0x1080  }
0xd5: {  	[spmem:s2] =	stream.indirect.scatter.add.f32 @!p0 [tilespmem:s6], [sflag:$0x1], $0x1, s10, s9, $0xb8;
	[tilespmem:$0x2080] =	vst v63  }
0xd6: {  	s10 =	simm.s32 @!p0 $0x1100  }
0xd7: {  	[spmem:s2] =	stream.indirect.scatter.add.f32 @!p0 [tilespmem:s6], [sflag:$0x1], $0x1, s10, s9, $0xb8;
	[tilespmem:$0x2080] =	vst v63  }
0xd8: {  	s10 =	simm.s32 @!p0 $0x1180  }
0xd9: {  	[spmem:s2] =	stream.indirect.scatter.add.f32 @!p0 [tilespmem:s6], [sflag:$0x1], $0x1, s10, s9, $0xb8;
	[tilespmem:$0x2080] =	vst v63  }
0xda: {  	s10 =	simm.s32 @!p0 $0x1200  }
0xdb: {  	[spmem:s2] =	stream.indirect.scatter.add.f32 @!p0 [tilespmem:s6], [sflag:$0x1], $0x1, s10, s9, $0xb8;
	[tilespmem:$0x2080] =	vst v63  }
0xdc: {  	s10 =	simm.s32 @!p0 $0x1280  }
0xdd: {  	[spmem:s2] =	stream.indirect.scatter.add.f32 @!p0 [tilespmem:s6], [sflag:$0x1], $0x1, s10, s9, $0xb8;
	[tilespmem:$0x2080] =	vst v63  }
0xde: {  	s10 =	simm.s32 @!p0 $0x1300  }
0xdf: {  	[spmem:s2] =	stream.indirect.scatter.add.f32 @!p0 [tilespmem:s6], [sflag:$0x1], $0x1, s10, s9, $0xb8;
	[tilespmem:$0x2080] =	vst v63  }
0xe0: {  	s10 =	simm.s32 @!p0 $0x1380  }
0xe1: {  	[spmem:s2] =	stream.indirect.scatter.add.f32 @!p0 [tilespmem:s6], [sflag:$0x1], $0x1, s10, s9, $0xb8;
	[tilespmem:$0x2080] =	vst v63  }
0xe2: {  	s6 =	simm.s32 @!p0 $0x1  }
0xe3: {  	_ =	swait.ge @!p0 [sflag:s6], $0xA00  }
0xe4: {  	[sflag:s6] =	ssyncset.done @!p0 $0x0  }
0xe5: {  	s9 =	stileid.u32;
	[sflag:s6] =	ssyncadd.s32 @!p0 $0xFFFFF600  }
0xe6: {  	s3 =	simm.s32 $0x20;
	s6 =	sshll.u32 s9, $0x6;
	[bflag:$0x0] =	sbarrier.arrive $0xFFFF  }
0xe7: {  	s9 =	sshrl.u32 s4, $0x3;
	s6 =	sor.u32 $0x1C02, s6;
	s10 =	rddreg [dreg:$0x5]  }
0xe8: {  	[hbm:s10@s3], [sflag:s6] =	dma.strided [spmem:s9@s16], $0x140, s7, $0x10   }
0xe9: {  	_ =	swait.ge [sflag:s12], $0x140  }
0xea: {  	s8 =	sadd.s32 $0x1, s8;
	s10 =	rddreg [dreg:$0x6]  }
0xeb: {  	p1 =	sne.s32 s8, s10  }
.Ltmp1:
0xec: {  	_ = 	snop;
	(pc) =	sbr.rel @p1 .LBB2_1-.Ltmp1, $3  }
0xed: {  	_ =	sdelay $0x1  }
0xee: {  	[sflag:s12] =	ssyncset.done $0x0  }
0xef: {  	[sflag:s12] =	ssyncadd.s32 $0xFFFFFEC0  }
0xf0: {  	_ =	sfence.sel $0x180000  }
0xf1: {  	[bflag:$0x0] =	sbarrier.arrive $0xFFFF  }
0xf2: {  	_ =	strace $0x90000047  }
0xf3: {  	s0 =	stileid.u32;
	[bflag:$0x2] =	sbarrier.arrive $0xFFFF  }
0xf4: {  	p0 =	sne.s32 s0, $0x0;
	s0 =	rddreg [dreg:$0x2]  }
0xf5: {  	s0 =	sadd.s32 @!p0 $0x100000, s0  }
0xf6: {  	[sflag:s0] =	ssyncadd.tile.s32 @!p0 $0x1;
	_ =	shalt  }
.Lfunc_end2:
_tile_overlayer_lowered:
.L_overlay_start_2:
0xf7: {  	(tag) =	ssettag $0x2  }
0xf8: {  	s0 =	rddreg [dreg:$0x0];
	s2 =	stileid.u32  }
0xf9: {  	s1 =	rddreg [dreg:$0x1];
	p0 =	sne.s32 s2, $0x0  }
0xfa: {  	s3 =	rddreg [dreg:$0x2];
	[bflag:$0x3] =	sbarrier.arrive $0xFFFF;
	s2 =	simm.s32 @!p0 $0x1C02  }
0xfb: {  	[timem:s3], [sflag:s2] =	dma.local @!p0 [hbm:s0], s1  }
0xfc: {  	s0 =	simm.s32 @!p0 $0x2  }
0xfd: {  	_ =	swait.ge @!p0 [sflag:s0], s1  }
0xfe: {  	s1 =	ssub.s32 @!p0 $0x0, s1;
	[sflag:s0] =	ssyncset.done @!p0 $0x0  }
0xff: {  	[sflag:s0] =	ssyncadd.s32 @!p0 s1  }
0x100: {  	[bflag:$0x3] =	sbarrier.arrive $0xFFFF  }
0x101: {  	_ =	shalt  }

// kernel: kernel.9.cloned.1.call-start
scs
__scs_entry_jumppad:
0x0: {  	(pc) =	sbr.rel $0x88, $3  }
0x1: {  	(tag) =	ssettag $0x0;
	lr =	simm.s32 $0x1  }
0x2: {  	[smem:$0x3F9A] =	sst lr;
	_ =	strace $0xD0000000  }
0x3: {  	_ = 	snop  }
0x4: {  	_ = 	snop  }
0x5: {  	_ = 	snop  }
0x6: {  	_ = 	snop  }
0x7: {  	_ = 	snop  }
__scs_overlays_trampoline_lowered:
0x8: {  	[smem:$0x3FA9] =	sst s0  }
0x9: {  	[smem:$0x3FAA] =	sst s1  }
0xa: {  	[smem:$0x3FAB] =	sst s2  }
0xb: {  	[smem:$0x3FAC] =	sst s3  }
0xc: {  	[smem:$0x3FAD] =	sst s4  }
0xd: {  	[smem:$0x3FAE] =	sst s5  }
0xe: {  	[smem:$0x3FAF] =	sst s6  }
0xf: {  	[smem:$0x3FB0] =	sst s7  }
0x10: {  	[smem:$0x3FB1] =	sst s8  }
0x11: {  	[smem:$0x3FB2] =	sst s9;
	s0 =	simm.s32 @!p0 $0x0  }
0x12: {  	s1 =	sld [smem:$0x3F98];
	s0 =	simm.s32 @p0 $0x1  }
0x13: {  	[smem:$0x3FB3] =	sst s0;
	s0 =	simm.s32 @!p1 $0x0  }
0x14: {  	s2 =	sld [smem:$0x3F97];
	s0 =	simm.s32 @p1 $0x1  }
0x15: {  	[smem:$0x3FB4] =	sst s0;
	s0 =	simm.s32 @!p2 $0x0  }
0x16: {  	s3 =	sld [smem:$0x3FDB];
	s0 =	simm.s32 @p2 $0x1  }
0x17: {  	s4 =	simm.s32 $0x1BF5;
	[smem:$0x3FB6] =	sst s0  }
0x18: {  	s0 =	sld [smem:$0x3F99];
	_ =	swait.ge [sflag:s4], $0x0  }
0x19: {  	s7 =	sld [smem:$0x3F9A]  }
0x1a: {  	s8 =	sadd.s32 $0xFFFFE003, lr  }
0x1b: {  	s9 =	sadd.s32 $0xFFFFFEF7, lr;
	s5 =	simm.s32 $0xFFFFFFFF;
	p2 =	slt.u32 s8, $0xFFFFF086  }
0x1c: {  	p1 =	slt.u32 s9, $0xF7A;
	s5 =	simm.s32 @!p2 $0x0  }
0x1d: {  	s5 =	simm.s32 @p1 $0x1;
	p0 =	seq.s32 s7, s2  }
0x1e: {  	s7 =	smul.u32 @!p0 $0xF7A, s2;
	p2 =	seq.s32 @!p0 s5, $0x0  }
0x1f: {  	s9 =	smul.u32 $0xF7A, s1;
	s8 =	simm.s32 @!p0 $0x1BF5;
	p2 =	por !p2, p0  }
0x20: {  	[sflag:s8] =	ssyncset.s32 @!p0 $0xFFFFF086;
	s6 =	sadd.s32 @!p0 s3, s7;
	s7 =	simm.s32 @!p0 $0x108  }
0x21: {  	s3 =	sadd.s32 s3, s9;
	s6 =	sadd.s32 @!p0 $0x88, s6;
	s7 =	simm.s32 @p2 $0x1082  }
0x22: {  	[simem:s7], [sflag:s8] =	dma.local @!p0 [hbm:s6], $0xF7A  }
0x23: {  	s9 =	sor.u32 $0xD0000000, s2;
	s6 =	simm.s32 $0x108;
	_ =	swait.ge @!p0 [sflag:s8], $0x0  }
0x24: {  	s3 =	sadd.s32 $0x88, s3;
	s6 =	simm.s32 @!p1 $0x1082;
	[sflag:s4] =	ssyncset.s32 $0xFFFFF086  }
0x25: {  	[simem:s6], [sflag:s4] =	dma.local [hbm:s3], $0xF7A  }
0x26: {  	[smem:$0x3F9A] =	sst s1;
	(tag) =	ssettag s2;
	_ =	strace s9  }
0x27: {  	s1 =	sld [smem:$0x3FAA]  }
0x28: {  	s2 =	sld [smem:$0x3FAB]  }
0x29: {  	s4 =	sld [smem:$0x3FAD]  }
0x2a: {  	p0 =	seq.s32 s5, $0x0;
	s5 =	sld [smem:$0x3FAE]  }
0x2b: {  	s6 =	sld [smem:$0x3FAF]  }
0x2c: {  	s7 =	sld [smem:$0x3FB0]  }
0x2d: {  	s3 =	simm.s32 $0x108;
	s8 =	sld [smem:$0x3FB1]  }
0x2e: {  	s3 =	simm.s32 @!p0 $0x1082;
	s9 =	sld [smem:$0x3FB2]  }
0x2f: {  	lr =	sadd.s32 s0, s3;
	s0 =	sld [smem:$0x3FA9]  }
0x30: {  	s3 =	sld [smem:$0x3FAC]  }
0x31: {  	[smem:$0x3FB5] =	sst s10  }
0x32: {  	s10 =	sld [smem:$0x3FB3];
	_ =	sdelay $0x3  }
0x33: {  	p0 =	seq.s32 s10, $0x1;
	s10 =	sld [smem:$0x3FB5];
	_ =	sdelay $0x3  }
0x34: {  	[smem:$0x3FB5] =	sst s10  }
0x35: {  	s10 =	sld [smem:$0x3FB4];
	_ =	sdelay $0x3  }
0x36: {  	p1 =	seq.s32 s10, $0x1;
	s10 =	sld [smem:$0x3FB5];
	_ =	sdelay $0x3  }
0x37: {  	[smem:$0x3FB5] =	sst s10  }
0x38: {  	s10 =	sld [smem:$0x3FB6]  }
0x39: {  	_ = 	snop;
	(pc) =	sbr.ind lr, $3  }
0x3a: {  	_ = 	snop  }
0x3b: {  	_ = 	snop  }
0x3c: {  	p2 =	seq.s32 s10, $0x1;
	s10 =	sld [smem:$0x3FB5]  }
0x3d: {  	_ =	shalt  }
0x3e: {  	_ =	shalt  }
0x3f: {  	_ =	shalt  }
0x40: {  	_ =	shalt  }
0x41: {  	_ =	shalt  }
0x42: {  	_ =	shalt  }
0x43: {  	_ =	shalt  }
0x44: {  	_ =	shalt  }
0x45: {  	_ =	shalt  }
0x46: {  	_ =	shalt  }
0x47: {  	_ =	shalt  }
0x48: {  	_ =	shalt  }
0x49: {  	_ =	shalt  }
0x4a: {  	_ =	shalt  }
0x4b: {  	_ =	shalt  }
0x4c: {  	_ =	shalt  }
0x4d: {  	_ =	shalt  }
0x4e: {  	_ =	shalt  }
0x4f: {  	_ =	shalt  }
0x50: {  	_ =	shalt  }
0x51: {  	_ =	shalt  }
0x52: {  	_ =	shalt  }
0x53: {  	_ =	shalt  }
0x54: {  	_ =	shalt  }
0x55: {  	_ =	shalt  }
0x56: {  	_ =	shalt  }
0x57: {  	_ =	shalt  }
0x58: {  	_ =	shalt  }
0x59: {  	_ =	shalt  }
0x5a: {  	_ =	shalt  }
0x5b: {  	_ =	shalt  }
0x5c: {  	_ =	shalt  }
0x5d: {  	_ =	shalt  }
0x5e: {  	_ =	shalt  }
0x5f: {  	_ =	shalt  }
0x60: {  	_ =	shalt  }
0x61: {  	_ =	shalt  }
0x62: {  	_ =	shalt  }
0x63: {  	_ =	shalt  }
0x64: {  	_ =	shalt  }
0x65: {  	_ =	shalt  }
0x66: {  	_ =	shalt  }
0x67: {  	_ =	shalt  }
0x68: {  	_ =	shalt  }
0x69: {  	_ =	shalt  }
0x6a: {  	_ =	shalt  }
0x6b: {  	_ =	shalt  }
0x6c: {  	_ =	shalt  }
0x6d: {  	_ =	shalt  }
0x6e: {  	_ =	shalt  }
0x6f: {  	_ =	shalt  }
0x70: {  	_ =	shalt  }
0x71: {  	_ =	shalt  }
0x72: {  	_ =	shalt  }
0x73: {  	_ =	shalt  }
0x74: {  	_ =	shalt  }
0x75: {  	_ =	shalt  }
0x76: {  	_ =	shalt  }
0x77: {  	_ =	shalt  }
0x78: {  	_ =	shalt  }
0x79: {  	_ =	shalt  }
0x7a: {  	_ =	shalt  }
0x7b: {  	_ =	shalt  }
0x7c: {  	_ =	shalt  }
0x7d: {  	_ =	shalt  }
0x7e: {  	_ =	shalt  }
0x7f: {  	_ =	shalt  }
0x80: {  	_ =	shalt  }
0x81: {  	_ =	shalt  }
0x82: {  	_ =	shalt  }
0x83: {  	_ =	shalt  }
0x84: {  	_ =	shalt  }
0x85: {  	_ =	shalt  }
0x86: {  	_ =	shalt  }
0x87: {  	_ =	shalt  }
.Lfunc_end0:
.L_simem_size_0:
called_computation.1_lowered:
.L_overlay_start_0:
0x88: {  	s2 =	sld [smem:$0x3FD9]  }
0x89: {  	s3 =	sld [smem:$0x3FFE];
	_ =	sdelay $0x1  }
0x8a: {  	s1 =	srdreg.scid  }
0x8b: {  	s0 =	sand.u32 $0x1, s1  }
0x8c: {  	s17 =	sshll.u32 s0, $0xA;
	s2 =	sadd.s32 s3, s2  }
0x8d: {  	s2 =	sadd.s32 s2, s17  }
0x8e: {  	[smem:$0x3FC1] =	sst s2  }
0x8f: {  	_ = 	snop  }
0x90: {  	s2 =	sld [smem:$0x3FD0];
	(tm) =	ssettm $0x1  }
0x91: {  	s18 =	sld [smem:$0x3FFB];
	_ =	sdelay $0x3  }
0x92: {  	_ =	strace s18  }
0x93: {  	s3 =	sld [smem:$0x3FFC];
	_ =	sdelay $0x3  }
0x94: {  	_ =	strace s3  }
0x95: {  	s3 =	sld [smem:$0x3FFD];
	_ =	sdelay $0x3  }
0x96: {  	_ =	strace s3  }
0x97: {  	_ =	strace $0x8FFFFFFF  }
0x98: {  	s19 =	sld [smem:$0x3FDB];
	_ =	sdelay $0x1  }
0x99: {  	s4 =	simm.s32 $_scs_section_size  }
0x9a: {  	s5 =	simm.s32 $_size__tile_overlayer_lowered;
	s6 =	simm.s32 $_tile_overlayer_lowered  }
0x9b: {  	s22 =	simm.s32 $0x1BFF;
	s21 =	sshll.u32 s6, $0x1;
	s3 =	sadd.s32 s4, s19  }
0x9c: {  	s7 =	simm.s32 $0x0;
	s20 =	sshll.u32 s5, $0x1;
	s5 =	sadd.s32 s21, s3  }
0x9d: {  	[timem:s7], [sflag:s22] =	dma.local [hbm:s5], s20  }
0x9e: {  	_ =	swait.ge [sflag:s22], s20  }
0x9f: {  	s4 =	ssub.s32 $0x0, s20;
	[sflag:s22] =	ssyncset.done $0x0  }
0xa0: {  	[sflag:s22] =	ssyncadd.s32 s4;
	_ =	sdelay $0x1  }
0xa1: {  	s23 =	simm.s32 $0x1B8B  }
0xa2: {  	_ =	swait.ge [sflag:s23], $0x1  }
0xa3: {  	[sflag:s23] =	ssyncset.done $0x0  }
0xa4: {  	s25 =	simm.s32 $0x1B8E;
	s24 =	sld [smem:$0x3FFE];
	[sflag:s23] =	ssyncadd.s32 $0xFFFFFFFF  }
0xa5: {  	s26 =	simm.s32 $execute0_lowered;
	[smem:$0x3FD2] =	sst s25  }
0xa6: {  	s5 =	sshll.u32 s26, $0x1;
	_ =	strace $0x80000049;
	[dreg:$0x1] =	wrdreg $0xFFFFFFFF  }
0xa7: {  	s28 =	simm.s32 $_size_execute0_lowered;
	s3 =	sadd.s32 s3, s5;
	[dreg:$0x0] =	wrdreg $0x0  }
0xa8: {  	s5 =	sshll.u32 s28, $0x1;
	[dreg:$0x2] =	wrdreg s3  }
0xa9: {  	[dreg:$0x3] =	wrdreg s5  }
0xaa: {  	[dreg:$0x4] =	wrdreg $0xC0  }
0xab: {  	_ =	task [dreg:s7], $0x5FFFF  }
0xac: {  	[dreg:$0x1] =	wrdreg $0xFFFFFFFF  }
0xad: {  	[dreg:$0x0] =	wrdreg $0x60  }
0xae: {  	[dreg:$0x2] =	wrdreg s2  }
0xaf: {  	[dreg:$0x3] =	wrdreg s24  }
0xb0: {  	[dreg:$0x4] =	wrdreg $0x0  }
0xb1: {  	[dreg:$0x5] =	wrdreg $0x9  }
0xb2: {  	_ =	task.clear_ibuf [dreg:s7], $0x6FFFF;
	_ =	strace $0x90000049  }
0xb3: {  	s29 =	simm.s32 $0x9;
	_ =	strace $0x8000004B  }
0xb4: {  	_ =	swait.ge [sflag:s29], $0x1  }
0xb5: {  	[sflag:s29] =	ssyncadd.s32 $0xFFFFFFFF  }
0xb6: {  	_ =	strace $0x9000004B  }
0xb7: {  	_ =	sfence  }
0xb8: {  	s30 =	sld [smem:$0x0];
	_ =	sdelay $0x2  }
0xb9: {  	s31 =	sshll.u32 s1, $0xD;
	s1 =	sshrl.u32 s1, $0x2  }
0xba: {  	s3 =	sand.u32 $0x4000, s31;
	s1 =	sadd.s32 s1, s30  }
0xbb: {  	s0 =	sor.u32 s3, s0;
	s1 =	sshll.u32 s1, $0x11  }
0xbc: {  	s0 =	sor.u32 s1, s0  }
0xbd: {  	s0 =	sadd.s32 $0x8F2B, s0  }
0xbe: {  	[sflag:s0] =	ssyncadd.remote.s32 $0x1  }
0xbf: {  	_ =	sfence.sel $0xFFFF  }
0xc0: {  	[dreg:$0x0] =	wrdreg $0xFFFFFFFF;
	(pc) =	sbr.abs _section_cstart, $3  }
0xc1: {  	[dreg:$0x1] =	wrdreg $0xFFFFFFFF  }
0xc2: {  	_ =	task.clear_ibuf [dreg:s7], $0x2FFFF;
	_ =	strace $0x9FFFFFFF  }
0xc3: {  	(tm) =	ssettm $0x7FFFFFFF  }
tec
execute0_lowered:
.L_overlay_start_1:
0x0: {  	(tag) =	ssettag $0x1  }
0x1: {  	s0 =	rddreg [dreg:$0x0]  }
0x2: {  	s1 =	rddreg [dreg:$0x1]  }
0x3: {  	s2 =	rddreg [dreg:$0x2]  }
0x4: {  	s3 =	simm.s32 $0x0;
	s12 =	stileid.u32;
	s4 =	srdreg.scid  }
0x5: {  	s28 =	simm.s32 $0x13980;
	s29 =	simm.s32 $0x17B80;
	s30 =	simm.s32 $0x13A80  }
0x6: {  	s31 =	simm.s32 $0x1BB80;
	[smem:$0x7FF] =	sst s3;
	s5 =	smul.u32 $0x50000, s12  }
0x7: {  	s6 =	sand.u32 $0x1, s4;
	s4 =	sadd.s32 $0x1C00, s1;
	s1 =	sadd.s32 $0x9E000, s1  }
0x8: {  	s10 =	sadd.s32 $0x12C000, s2;
	s13 =	sshll.u32 s12, $0x6;
	s9 =	sadd.s32 $0x130000, s2  }
0x9: {  	s23 =	sadd.s32 $0x134000, s2;
	s11 =	smul.u32 $0x14000, s12;
	s15 =	sadd.s32 $0x138000, s2  }
0xa: {  	p0 =	seq.s32 s12, $0xF;
	_ =	strace $0x8000004A;
	[dreg:$0x9] =	wrdreg s9  }
0xb: {  	p1 =	sgt.u32 s12, $0x1;
	s7 =	ssub.s32 $0x2, s6;
	[dreg:$0xa] =	wrdreg s23  }
0xc: {  	s22 =	sshll.u32 s6, $0x5;
	s6 =	smul.u32 $0x138800, s6;
	[dreg:$0xb] =	wrdreg s15  }
0xd: {  	[dreg:$0x8] =	wrdreg s13;
	s23 =	simm.s32 $0x13880;
	s5 =	sshrl.u32 s5, $0x2  }
0xe: {  	s8 =	sshrl.u32 s7, $0x1;
	s24 =	sor.u32 s22, s13;
	s5 =	sadd.s32 s5, s2  }
0xf: {  	s7 =	ssub.s32 s7, s8;
	s14 =	sadd.s32 s0, s24;
	s25 =	sshrl.u32 s6, $0x3  }
0x10: {  	s6 =	sadd.s32 s11, s6;
	s0 =	sadd.s32 s13, s0;
	s24 =	simm.s32 $0x7  }
0x11: {  	s11 =	simm.s32 $0x13B00;
	s8 =	simm.s32 $0x6;
	s18 =	sadd.s32 $0x4000, s5  }
0x12: {  	s19 =	sadd.s32 $0x8000, s5;
	s20 =	sadd.s32 $0xC000, s5;
	s21 =	sadd.s32 $0x10000, s5  }
0x13: {  	s16 =	sadd.s32 $0x400, s14;
	s9 =	sadd.s32 s1, s25;
	[dreg:$0x4] =	wrdreg s18  }
0x14: {  	s17 =	sadd.s32 $0x800, s14;
	s26 =	sadd.s32 $0x13800, s14;
	[dreg:$0x5] =	wrdreg s19  }
0x15: {  	s6 =	sshrl.u32 s6, $0x3;
	s22 =	sadd.s32 s22, s0;
	[dreg:$0x6] =	wrdreg s20  }
0x16: {  	s25 =	simm.s32 $0x80;
	s0 =	simm.s32 $0x1;
	[dreg:$0x7] =	wrdreg s21  }
.Ltmp0:
0x17: {  	s9 =	sadd.s32 $0x25800, s9;
	[dreg:$0xd] =	wrdreg s26;
	(pc) =	sbr.rel .LBB2_1-.Ltmp0, $4  }
0x18: {  	s1 =	sadd.s32 s1, s6;
	s21 =	smax.u32 s7, $0x1;
	s26 =	simm.s32 $0x13B80  }
0x19: {  	s18 =	simm.s32 $0x2;
	s19 =	simm.s32 $0x13A00;
	s20 =	simm.s32 $0x3  }
0x1a: {  	s6 =	simm.s32 $0x4;
	s7 =	simm.s32 $0x5;
	[dreg:$0xc] =	wrdreg s9  }
0x1b: {  	v0 =	vimm.f32 $0.0e+00;
	[dreg:$0xe] =	wrdreg s1;
	s1 =	simm.s32 $0x13900;
	s9 =	simm.s32 $0x0  }
.LBB2_9:
0x1c: {  	s12 =	sshrl.u32 s10, $0x3;
	s13 =	rddreg [dreg:$0xc];
	s15 =	simm.s32 $0x1FC7  }
0x1d: {  	[hbm:s13], [sflag:s15] =	dma.local [spmem:s12], $0x1900  }
0x1e: {  	_ =	swait.ge [sflag:s24], $0x1900  }
0x1f: {  	[sflag:s24] =	ssyncset.done $0x0  }
0x20: {  	[sflag:s24] =	ssyncadd.s32 $0xFFFFE700  }
.LBB2_10:
0x21: {  	s9 =	sadd.s32 $0x1, s9  }
0x22: {  	p2 =	sne.s32 s9, s21  }
.Ltmp1:
0x23: {  	_ = 	snop;
	(pc) =	sbr.rel @!p2 .LBB2_11-.Ltmp1, $1  }
0x24: {  	_ =	sdelay $0x3  }
.LBB2_1:
0x25: {  	s12 =	simm.s32 $0x0;
	s13 =	simm.s32 $0x200  }
.LBB2_2:
0x26: {  	p2 =	sne.s32 s13, $0xFE00;
	[tilespmem:s12+$0x13BF0] =	vst v0  }
0x27: {  	[tilespmem:s12+$0x13B80] =	vst v0  }
0x28: {  	[tilespmem:s12+$0x13B90] =	vst v0  }
.Ltmp2:
0x29: {  	[tilespmem:s12+$0x13BA0] =	vst v0;
	(pc) =	sbr.rel @p2 .LBB2_2-.Ltmp2, $4  }
0x2a: {  	[tilespmem:s12+$0x13BB0] =	vst v0  }
0x2b: {  	[tilespmem:s12+$0x13BC0] =	vst v0  }
0x2c: {  	[tilespmem:s12+$0x13BD0] =	vst v0  }
0x2d: {  	[tilespmem:s12+$0x13BE0] =	vst v0;
	s12 =	sshra.s32 s13, $0x2;
	s13 =	sadd.s32 $0x200, s13  }
0x2e: {  	[tilespmem:s12+$0x13BF0] =	vst v0  }
0x2f: {  	[tilespmem:s12+$0x13B80] =	vst v0  }
0x30: {  	[tilespmem:s12+$0x13B90] =	vst v0  }
0x31: {  	[tilespmem:s12+$0x13BA0] =	vst v0  }
0x32: {  	[tilespmem:s12+$0x13BB0] =	vst v0  }
0x33: {  	[tilespmem:s12+$0x13BC0] =	vst v0  }
0x34: {  	[tilespmem:s12+$0x13BD0] =	vst v0  }
0x35: {  	[tilespmem:s12+$0x13BE0] =	vst v0;
	s12 =	simm.s32 @p0 $0x13B80;
	s13 =	simm.s32 @p0 $0x7  }
0x36: {  	[spmem:s10] =	stream.linear.scatter @p0 [tilespmem:s12], [sflag:$0x7], $0x4000, $0x38;
	[tilespmem:$0x1FB80] =	vst v63  }
0x37: {  	_ =	swait.ge @p0 [sflag:s13], $0x4000  }
0x38: {  	[sflag:s13] =	ssyncset.done @p0 $0x0  }
0x39: {  	s15 =	rddreg [dreg:$0x9];
	[sflag:s13] =	ssyncadd.s32 @p0 $0xFFFFC000  }
0x3a: {  	[spmem:s15] =	stream.linear.scatter @p0 [tilespmem:s12], [sflag:$0x7], $0x4000, $0x38;
	[tilespmem:$0x1FB80] =	vst v63  }
0x3b: {  	_ =	swait.ge @p0 [sflag:s13], $0x4000  }
0x3c: {  	[sflag:s13] =	ssyncset.done @p0 $0x0  }
0x3d: {  	s15 =	rddreg [dreg:$0xa];
	[sflag:s13] =	ssyncadd.s32 @p0 $0xFFFFC000  }
0x3e: {  	[spmem:s15] =	stream.linear.scatter @p0 [tilespmem:s12], [sflag:$0x7], $0x4000, $0x38;
	[tilespmem:$0x1FB80] =	vst v63  }
0x3f: {  	_ =	swait.ge @p0 [sflag:s13], $0x4000  }
0x40: {  	[sflag:s13] =	ssyncset.done @p0 $0x0  }
0x41: {  	s15 =	rddreg [dreg:$0xb];
	[sflag:s13] =	ssyncadd.s32 @p0 $0xFFFFC000  }
0x42: {  	[spmem:s15] =	stream.linear.scatter @p0 [tilespmem:s12], [sflag:$0x7], $0x800, $0x38;
	[tilespmem:$0x1FB80] =	vst v63  }
0x43: {  	_ =	swait.ge @p0 [sflag:s13], $0x800  }
0x44: {  	[sflag:s13] =	ssyncset.done @p0 $0x0  }
0x45: {  	s12 =	simm.s32 @!p0 $0x13B80;
	[sflag:s13] =	ssyncadd.s32 @p0 $0xFFFFF800;
	s13 =	simm.s32 @!p0 $0x7  }
0x46: {  	[spmem:s5] =	stream.linear.scatter @!p0 [tilespmem:s12], [sflag:$0x7], $0x4000, $0x38;
	[tilespmem:$0x1FB80] =	vst v63  }
0x47: {  	_ =	swait.ge @!p0 [sflag:s13], $0x4000  }
0x48: {  	[sflag:s13] =	ssyncset.done @!p0 $0x0  }
0x49: {  	s15 =	rddreg [dreg:$0x4];
	[sflag:s13] =	ssyncadd.s32 @!p0 $0xFFFFC000  }
0x4a: {  	[spmem:s15] =	stream.linear.scatter @!p0 [tilespmem:s12], [sflag:$0x7], $0x4000, $0x38;
	[tilespmem:$0x1FB80] =	vst v63  }
0x4b: {  	_ =	swait.ge @!p0 [sflag:s13], $0x4000  }
0x4c: {  	[sflag:s13] =	ssyncset.done @!p0 $0x0  }
0x4d: {  	s15 =	rddreg [dreg:$0x5];
	[sflag:s13] =	ssyncadd.s32 @!p0 $0xFFFFC000  }
0x4e: {  	[spmem:s15] =	stream.linear.scatter @!p0 [tilespmem:s12], [sflag:$0x7], $0x4000, $0x38;
	[tilespmem:$0x1FB80] =	vst v63  }
0x4f: {  	_ =	swait.ge @!p0 [sflag:s13], $0x4000  }
0x50: {  	[sflag:s13] =	ssyncset.done @!p0 $0x0  }
0x51: {  	s15 =	rddreg [dreg:$0x6];
	[sflag:s13] =	ssyncadd.s32 @!p0 $0xFFFFC000  }
0x52: {  	[spmem:s15] =	stream.linear.scatter @!p0 [tilespmem:s12], [sflag:$0x7], $0x4000, $0x38;
	[tilespmem:$0x1FB80] =	vst v63  }
0x53: {  	_ =	swait.ge @!p0 [sflag:s13], $0x4000  }
0x54: {  	[sflag:s13] =	ssyncset.done @!p0 $0x0  }
0x55: {  	s15 =	rddreg [dreg:$0x7];
	[sflag:s13] =	ssyncadd.s32 @!p0 $0xFFFFC000  }
0x56: {  	[spmem:s15] =	stream.linear.scatter @!p0 [tilespmem:s12], [sflag:$0x7], $0x4000, $0x38;
	[tilespmem:$0x1FB80] =	vst v63  }
0x57: {  	_ =	swait.ge @!p0 [sflag:s13], $0x4000  }
0x58: {  	[sflag:s13] =	ssyncset.done @!p0 $0x0  }
0x59: {  	[sflag:s13] =	ssyncadd.s32 @!p0 $0xFFFFC000  }
0x5a: {  	[bflag:$0x0] =	sbarrier.arrive $0xFFFF  }
0x5b: {  	[tilespmem:s23], [sflag:$0x7] =	stream.linear.gather [hbm4b:s14+s3], $0x100, $0x38;
	[tilespmem:$0x1FB80] =	vst v63  }
0x5c: {  	_ =	swait.ge [sflag:s24], $0x100  }
0x5d: {  	[sflag:s24] =	ssyncset.done $0x0  }
0x5e: {  	[sflag:s24] =	ssyncadd.s32 $0xFFFFFF00  }
0x5f: {  	[tilespmem:s26], [sflag:$0x1] =	stream.indirect.gather [hbm4b:s4+s25], $0x80, s23, s25, $0xb8;
	[tilespmem:$0x1FB80] =	vst v63  }
0x60: {  	_ = 	snop  }
0x61: {  	[tilespmem:s28], [sflag:$0x7] =	stream.linear.gather [hbm4b:s16+s3], $0x100, $0x38;
	[tilespmem:$0x1FB80] =	vst v63  }
0x62: {  	_ =	swait.ge [sflag:s24], $0x100  }
0x63: {  	[sflag:s24] =	ssyncset.done $0x0  }
0x64: {  	[sflag:s24] =	ssyncadd.s32 $0xFFFFFF00  }
0x65: {  	[tilespmem:s29], [sflag:$0x2] =	stream.indirect.gather [hbm4b:s4+s25], $0x80, s28, s25, $0xb8;
	[tilespmem:$0x1FB80] =	vst v63  }
0x66: {  	_ = 	snop  }
0x67: {  	[tilespmem:s30], [sflag:$0x7] =	stream.linear.gather [hbm4b:s17+s3], $0x100, $0x38;
	[tilespmem:$0x1FB80] =	vst v63  }
0x68: {  	_ =	swait.ge [sflag:s24], $0x100  }
0x69: {  	[sflag:s24] =	ssyncset.done $0x0  }
0x6a: {  	[sflag:s24] =	ssyncadd.s32 $0xFFFFFF00  }
0x6b: {  	[tilespmem:s31], [sflag:$0x3] =	stream.indirect.gather [hbm4b:s4+s25], $0x80, s30, s25, $0xb8;
	[tilespmem:$0x1FB80] =	vst v63  }
0x6c: {  	_ =	swait.ge [sflag:s0], $0x4000  }
0x6d: {  	[sflag:s0] =	ssyncset.done $0x0  }
0x6e: {  	[sflag:s0] =	ssyncadd.s32 $0xFFFFC000  }
0x6f: {  	[spmem:s2] =	stream.indirect.scatter.add.f32 [tilespmem:s26], [sflag:$0x4], $0x80, s1, s25, $0xb8;
	[tilespmem:$0x1FB80] =	vst v63  }
0x70: {  	_ =	swait.ge [sflag:s18], $0x4000  }
0x71: {  	[sflag:s18] =	ssyncset.done $0x0  }
0x72: {  	[sflag:s18] =	ssyncadd.s32 $0xFFFFC000  }
0x73: {  	[spmem:s2] =	stream.indirect.scatter.add.f32 [tilespmem:s29], [sflag:$0x5], $0x80, s19, s25, $0xb8;
	[tilespmem:$0x1FB80] =	vst v63  }
0x74: {  	_ =	swait.ge [sflag:s20], $0x4000  }
0x75: {  	[sflag:s20] =	ssyncset.done $0x0  }
0x76: {  	[sflag:s20] =	ssyncadd.s32 $0xFFFFC000  }
0x77: {  	[spmem:s2] =	stream.indirect.scatter.add.f32 [tilespmem:s31], [sflag:$0x6], $0x80, s11, s25, $0xb8;
	[tilespmem:$0x1FB80] =	vst v63  }
0x78: {  	_ =	swait.ge [sflag:s6], $0x4000  }
0x79: {  	s12 =	sadd.s32 $0xFFFED400, s22;
	[sflag:s6] =	ssyncset.done $0x0  }
0x7a: {  	s15 =	sadd.s32 $0x13800, s12;
	[sflag:s6] =	ssyncadd.s32 $0xFFFFC000  }
0x7b: {  	[tilespmem:s23], [sflag:$0x7] =	stream.linear.gather [hbm4b:s15+s3], $0x100, $0x38;
	[tilespmem:$0x1FB80] =	vst v63  }
0x7c: {  	_ =	swait.ge [sflag:s24], $0x100  }
0x7d: {  	[sflag:s24] =	ssyncset.done $0x0  }
0x7e: {  	[sflag:s24] =	ssyncadd.s32 $0xFFFFFF00  }
0x7f: {  	[tilespmem:s26], [sflag:$0x1] =	stream.indirect.gather [hbm4b:s4+s25], $0x80, s23, s25, $0xb8;
	[tilespmem:$0x1FB80] =	vst v63  }
0x80: {  	_ =	swait.ge [sflag:s7], $0x4000  }
0x81: {  	[sflag:s7] =	ssyncset.done $0x0  }
0x82: {  	s15 =	sadd.s32 $0x13C00, s12;
	[sflag:s7] =	ssyncadd.s32 $0xFFFFC000  }
0x83: {  	[tilespmem:s28], [sflag:$0x7] =	stream.linear.gather [hbm4b:s15+s3], $0x100, $0x38;
	[tilespmem:$0x1FB80] =	vst v63  }
0x84: {  	_ =	swait.ge [sflag:s24], $0x100  }
0x85: {  	[sflag:s24] =	ssyncset.done $0x0  }
0x86: {  	[sflag:s24] =	ssyncadd.s32 $0xFFFFFF00  }
0x87: {  	[tilespmem:s29], [sflag:$0x2] =	stream.indirect.gather [hbm4b:s4+s25], $0x80, s28, s25, $0xb8;
	[tilespmem:$0x1FB80] =	vst v63  }
0x88: {  	_ =	swait.ge [sflag:s8], $0x4000  }
0x89: {  	[sflag:s8] =	ssyncset.done $0x0  }
0x8a: {  	s12 =	sadd.s32 $0x14000, s12;
	[sflag:s8] =	ssyncadd.s32 $0xFFFFC000  }
0x8b: {  	[tilespmem:s30], [sflag:$0x7] =	stream.linear.gather [hbm4b:s12+s3], $0x100, $0x38;
	[tilespmem:$0x1FB80] =	vst v63  }
0x8c: {  	_ =	swait.ge [sflag:s24], $0x100  }
0x8d: {  	[sflag:s24] =	ssyncset.done $0x0  }
0x8e: {  	s12 =	simm.s32 $0xFFFEE000;
	[sflag:s24] =	ssyncadd.s32 $0xFFFFFF00  }
.LBB2_4:
0x8f: {  	[tilespmem:s31], [sflag:$0x3] =	stream.indirect.gather [hbm4b:s4+s25], $0x80, s30, s25, $0xb8;
	[tilespmem:$0x1FB80] =	vst v63  }
0x90: {  	s13 =	smov.u32 s12  }
0x91: {  	p2 =	sne.s32 s12, $0xFFFFF400;
	s12 =	sadd.s32 $0xC00, s12;
	_ =	swait.ge [sflag:s0], $0x4000  }
0x92: {  	[sflag:s0] =	ssyncset.done $0x0  }
0x93: {  	[sflag:s0] =	ssyncadd.s32 $0xFFFFC000  }
0x94: {  	[spmem:s2] =	stream.indirect.scatter.add.f32 [tilespmem:s26], [sflag:$0x4], $0x80, s1, s25, $0xb8;
	[tilespmem:$0x1FB80] =	vst v63  }
0x95: {  	_ =	swait.ge [sflag:s18], $0x4000  }
0x96: {  	[sflag:s18] =	ssyncset.done $0x0  }
0x97: {  	[sflag:s18] =	ssyncadd.s32 $0xFFFFC000  }
0x98: {  	[spmem:s2] =	stream.indirect.scatter.add.f32 [tilespmem:s29], [sflag:$0x5], $0x80, s19, s25, $0xb8;
	[tilespmem:$0x1FB80] =	vst v63  }
0x99: {  	_ =	swait.ge [sflag:s20], $0x4000  }
0x9a: {  	[sflag:s20] =	ssyncset.done $0x0  }
0x9b: {  	[sflag:s20] =	ssyncadd.s32 $0xFFFFC000  }
0x9c: {  	[spmem:s2] =	stream.indirect.scatter.add.f32 [tilespmem:s31], [sflag:$0x6], $0x80, s11, s25, $0xb8;
	[tilespmem:$0x1FB80] =	vst v63  }
0x9d: {  	_ =	swait.ge [sflag:s6], $0x4000  }
0x9e: {  	s13 =	sadd.s32 s13, s22;
	[sflag:s6] =	ssyncset.done $0x0  }
0x9f: {  	s15 =	sadd.s32 $0x13800, s13;
	[sflag:s6] =	ssyncadd.s32 $0xFFFFC000  }
0xa0: {  	[tilespmem:s23], [sflag:$0x7] =	stream.linear.gather [hbm4b:s15+s3], $0x100, $0x38;
	[tilespmem:$0x1FB80] =	vst v63  }
0xa1: {  	_ =	swait.ge [sflag:s24], $0x100  }
0xa2: {  	[sflag:s24] =	ssyncset.done $0x0  }
0xa3: {  	[sflag:s24] =	ssyncadd.s32 $0xFFFFFF00  }
0xa4: {  	[tilespmem:s26], [sflag:$0x1] =	stream.indirect.gather [hbm4b:s4+s25], $0x80, s23, s25, $0xb8;
	[tilespmem:$0x1FB80] =	vst v63  }
0xa5: {  	_ =	swait.ge [sflag:s7], $0x4000  }
0xa6: {  	[sflag:s7] =	ssyncset.done $0x0  }
0xa7: {  	s15 =	sadd.s32 $0x13C00, s13;
	[sflag:s7] =	ssyncadd.s32 $0xFFFFC000  }
0xa8: {  	[tilespmem:s28], [sflag:$0x7] =	stream.linear.gather [hbm4b:s15+s3], $0x100, $0x38;
	[tilespmem:$0x1FB80] =	vst v63  }
0xa9: {  	_ =	swait.ge [sflag:s24], $0x100  }
0xaa: {  	[sflag:s24] =	ssyncset.done $0x0  }
0xab: {  	[sflag:s24] =	ssyncadd.s32 $0xFFFFFF00  }
0xac: {  	[tilespmem:s29], [sflag:$0x2] =	stream.indirect.gather [hbm4b:s4+s25], $0x80, s28, s25, $0xb8;
	[tilespmem:$0x1FB80] =	vst v63  }
0xad: {  	_ =	swait.ge [sflag:s8], $0x4000  }
0xae: {  	[sflag:s8] =	ssyncset.done $0x0  }
.Ltmp3:
0xaf: {  	s13 =	sadd.s32 $0x14000, s13;
	[sflag:s8] =	ssyncadd.s32 $0xFFFFC000;
	(pc) =	sbr.rel @p2 .LBB2_4-.Ltmp3, $4  }
0xb0: {  	[tilespmem:s30], [sflag:$0x7] =	stream.linear.gather [hbm4b:s13+s3], $0x100, $0x38;
	[tilespmem:$0x1FB80] =	vst v63  }
0xb1: {  	_ =	swait.ge [sflag:s24], $0x100  }
0xb2: {  	[sflag:s24] =	ssyncset.done $0x0  }
0xb3: {  	[sflag:s24] =	ssyncadd.s32 $0xFFFFFF00  }
0xb4: {  	[tilespmem:s31], [sflag:$0x3] =	stream.indirect.gather [hbm4b:s4+s25], $0x80, s30, s25, $0xb8;
	[tilespmem:$0x1FB80] =	vst v63  }
0xb5: {  	_ =	swait.ge [sflag:s0], $0x4000  }
0xb6: {  	[sflag:s0] =	ssyncset.done $0x0  }
0xb7: {  	[sflag:s0] =	ssyncadd.s32 $0xFFFFC000  }
0xb8: {  	[spmem:s2] =	stream.indirect.scatter.add.f32 [tilespmem:s26], [sflag:$0x4], $0x80, s1, s25, $0xb8;
	[tilespmem:$0x1FB80] =	vst v63  }
0xb9: {  	_ =	swait.ge [sflag:s18], $0x4000  }
0xba: {  	[sflag:s18] =	ssyncset.done $0x0  }
0xbb: {  	[sflag:s18] =	ssyncadd.s32 $0xFFFFC000  }
0xbc: {  	[spmem:s2] =	stream.indirect.scatter.add.f32 [tilespmem:s29], [sflag:$0x5], $0x80, s19, s25, $0xb8;
	[tilespmem:$0x1FB80] =	vst v63  }
0xbd: {  	_ =	swait.ge [sflag:s20], $0x4000  }
0xbe: {  	[sflag:s20] =	ssyncset.done $0x0  }
0xbf: {  	[sflag:s20] =	ssyncadd.s32 $0xFFFFC000  }
0xc0: {  	[spmem:s2] =	stream.indirect.scatter.add.f32 [tilespmem:s31], [sflag:$0x6], $0x80, s11, s25, $0xb8;
	[tilespmem:$0x1FB80] =	vst v63  }
0xc1: {  	_ =	swait.ge [sflag:s6], $0x4000  }
0xc2: {  	[sflag:s6] =	ssyncset.done $0x0  }
0xc3: {  	[sflag:s6] =	ssyncadd.s32 $0xFFFFC000  }
0xc4: {  	_ =	swait.ge [sflag:s7], $0x4000  }
.Ltmp4:
0xc5: {  	[sflag:s7] =	ssyncset.done $0x0;
	(pc) =	sbr.rel @p1 .LBB2_7-.Ltmp4, $4  }
0xc6: {  	[sflag:s7] =	ssyncadd.s32 $0xFFFFC000  }
0xc7: {  	_ =	swait.ge [sflag:s8], $0x4000  }
0xc8: {  	[sflag:s8] =	ssyncset.done $0x0  }
0xc9: {  	[sflag:s8] =	ssyncadd.s32 $0xFFFFC000  }
0xca: {  	s12 =	rddreg [dreg:$0xd]  }
0xcb: {  	[tilespmem:s23], [sflag:$0x7] =	stream.linear.gather [hbm4b:s12+s3], $0x100, $0x38;
	[tilespmem:$0x1FB80] =	vst v63  }
0xcc: {  	_ =	swait.ge [sflag:s24], $0x100  }
0xcd: {  	[sflag:s24] =	ssyncset.done $0x0  }
0xce: {  	[sflag:s24] =	ssyncadd.s32 $0xFFFFFF00  }
0xcf: {  	[tilespmem:s26], [sflag:$0x1] =	stream.indirect.gather [hbm4b:s4+s25], $0x80, s23, s25, $0xb8;
	[tilespmem:$0x1FB80] =	vst v63  }
0xd0: {  	_ =	swait.ge [sflag:s0], $0x4000  }
0xd1: {  	[sflag:s0] =	ssyncset.done $0x0  }
0xd2: {  	[sflag:s0] =	ssyncadd.s32 $0xFFFFC000  }
0xd3: {  	[spmem:s2] =	stream.indirect.scatter.add.f32 [tilespmem:s26], [sflag:$0x7], $0x80, s1, s25, $0xb8;
	[tilespmem:$0x1FB80] =	vst v63  }
.Ltmp5:
0xd4: {  	_ =	swait.ge [sflag:s24], $0x4000;
	(pc) =	sbr.rel .LBB2_8-.Ltmp5, $3  }
0xd5: {  	[sflag:s24] =	ssyncset.done $0x0  }
0xd6: {  	[sflag:s24] =	ssyncadd.s32 $0xFFFFC000  }
0xd7: {  	[bflag:$0x0] =	sbarrier.arrive $0xFFFF;
	_ =	sdelay $0x1  }
.LBB2_7:
.Ltmp6:
0xd8: {  	(pc) =	sbr.rel @p0 .LBB2_9-.Ltmp6, $2  }
0xd9: {  	_ =	sdelay $0x1  }
0xda: {  	[bflag:$0x0] =	sbarrier.arrive $0xFFFF;
	_ =	sdelay $0x1  }
.LBB2_8:
0xdb: {  	s12 =	rddreg [dreg:$0x8];
	s13 =	sshrl.u32 s5, $0x3  }
.Ltmp7:
0xdc: {  	s15 =	rddreg [dreg:$0xe];
	s12 =	sor.u32 $0x1C07, s12;
	(pc) =	sbr.rel .LBB2_10-.Ltmp7, $4  }
0xdd: {  	[hbm:s15], [sflag:s12] =	dma.local [spmem:s13], $0x2800  }
0xde: {  	_ =	swait.ge [sflag:s24], $0x2800  }
0xdf: {  	[sflag:s24] =	ssyncset.done $0x0  }
0xe0: {  	[sflag:s24] =	ssyncadd.s32 $0xFFFFD800  }
.LBB2_11:
0xe1: {  	_ =	sfence.sel $0x180000  }
0xe2: {  	[bflag:$0x0] =	sbarrier.arrive $0xFFFF  }
0xe3: {  	_ =	strace $0x9000004A  }
0xe4: {  	s0 =	stileid.u32;
	[bflag:$0x2] =	sbarrier.arrive $0xFFFF  }
0xe5: {  	p0 =	sne.s32 s0, $0x0;
	s0 =	rddreg [dreg:$0x3]  }
0xe6: {  	s0 =	sadd.s32 @!p0 $0x100000, s0  }
0xe7: {  	[sflag:s0] =	ssyncadd.tile.s32 @!p0 $0x1;
	_ =	shalt  }
.Lfunc_end2:
_tile_overlayer_lowered:
.L_overlay_start_2:
0xe8: {  	(tag) =	ssettag $0x2  }
0xe9: {  	s0 =	rddreg [dreg:$0x0];
	s2 =	stileid.u32  }
0xea: {  	s1 =	rddreg [dreg:$0x1];
	p0 =	sne.s32 s2, $0x0  }
0xeb: {  	s3 =	rddreg [dreg:$0x2];
	[bflag:$0x3] =	sbarrier.arrive $0xFFFF;
	s2 =	simm.s32 @!p0 $0x1C07  }
0xec: {  	[timem:s3], [sflag:s2] =	dma.local @!p0 [hbm:s0], s1  }
0xed: {  	s0 =	simm.s32 @!p0 $0x7  }
0xee: {  	_ =	swait.ge @!p0 [sflag:s0], s1  }
0xef: {  	s1 =	ssub.s32 @!p0 $0x0, s1;
	[sflag:s0] =	ssyncset.done @!p0 $0x0  }
0xf0: {  	[sflag:s0] =	ssyncadd.s32 @!p0 s1  }
0xf1: {  	[bflag:$0x3] =	sbarrier.arrive $0xFFFF  }
0xf2: {  	_ =	shalt  }

</sc_bundles>
